<compile_context>
chip_gen: v7x
topology: tpu7x:2x2x1
jax: 0.10.2.dev20260603
libtpu: 0.0.44.dev20260713+nightly
codegen_flags: <defaults>
</compile_context>

<pallas_src>
import functools

import jax
import jax.numpy as jnp
from jax import lax
from jax.experimental import pallas as pl
from jax.experimental.pallas import tpu as pltpu

N = 4096
NG = 8
KNN = 16
NPAD2 = 2304
RT = 256
BIGSLOT = 1 << 26
_INTERPRET = False


def _silu(x):
    return x * (1.0 / (1.0 + jnp.exp(-x)))


def _bsplit(v):
    hi = v.astype(jnp.bfloat16).astype(jnp.float32)
    lo = (v - hi).astype(jnp.bfloat16).astype(jnp.float32)
    return hi, lo


def _dot3(xi, yi, zi, xj, yj, zj):
    xih, xil = _bsplit(xi)
    yih, yil = _bsplit(yi)
    zih, zil = _bsplit(zi)
    xjh, xjl = _bsplit(xj)
    yjh, yjl = _bsplit(yj)
    zjh, zjl = _bsplit(zj)
    acc = xil * xjh
    acc = acc + yil * yjh
    acc = acc + zil * zjh
    acc = acc + xih * xjl
    acc = acc + yih * yjl
    acc = acc + zih * zjl
    acc = acc + xih * xjh
    acc = acc + yih * yjh
    acc = acc + zih * zjh
    return acc


def _fps_body(smax_ref, meta_ref, px_ref, py_ref, pz_ref, slot_ref):
    shape = (NG, N)
    lidx = lax.broadcasted_iota(jnp.int32, shape, 1)
    meta = meta_ref[...]
    ncol = meta[:, 0:1]
    mcol = meta[:, 1:2]
    offcol = meta[:, 2:3]
    valid = lidx < ncol
    x = px_ref[...]
    y = py_ref[...]
    z = pz_ref[...]

    dx = x - x[:, 0:1]
    dy = y - y[:, 0:1]
    dz = z - z[:, 0:1]
    d0 = jnp.where(valid, dx * dx + dy * dy + dz * dz, -1.0)
    slot_ref[...] = jnp.where((lidx == 0) & (mcol > 0), offcol,
                              jnp.int32(BIGSLOT))

    def body(t, d):
        active = t < mcol
        rowmax = jnp.max(d, axis=1, keepdims=True)
        nxt = jnp.min(jnp.where(d == rowmax, lidx, N), axis=1, keepdims=True)
        oh = lidx == nxt
        xs = jnp.sum(jnp.where(oh, x, 0.0), axis=1, keepdims=True)
        ys = jnp.sum(jnp.where(oh, y, 0.0), axis=1, keepdims=True)
        zs = jnp.sum(jnp.where(oh, z, 0.0), axis=1, keepdims=True)
        ex = x - xs
        ey = y - ys
        ez = z - zs
        dn = ex * ex + ey * ey + ez * ez
        d = jnp.where(active & valid, jnp.minimum(d, dn), d)
        slot_ref[...] = jnp.where(oh & active, offcol + t, slot_ref[...])
        return d

    lax.fori_loop(1, smax_ref[0, 0], body, d0)


def _run_fps(smax, meta, ppx, ppy, ppz):
    return pl.pallas_call(
        _fps_body,
        in_specs=[
            pl.BlockSpec(memory_space=pltpu.SMEM),
            pl.BlockSpec((NG, 4)),
            pl.BlockSpec((NG, N)),
            pl.BlockSpec((NG, N)),
            pl.BlockSpec((NG, N)),
        ],
        out_specs=pl.BlockSpec((NG, N)),
        out_shape=jax.ShapeDtypeStruct((NG, N), jnp.int32),
        interpret=_INTERPRET,
    )(smax, meta, ppx, ppy, ppz)


def _compact_body(slot_ref, p16_ref, out_ref):
    i = pl.program_id(0)
    rowid = i * RT + lax.broadcasted_iota(jnp.int32, (RT, 1), 0)
    oh = (slot_ref[...] == rowid).astype(jnp.float32)
    out_ref[...] = jnp.dot(oh, p16_ref[...], preferred_element_type=jnp.float32)


def _run_compact(slot_row, p16):
    return pl.pallas_call(
        _compact_body,
        grid=(NPAD2 // RT,),
        in_specs=[
            pl.BlockSpec((1, N), lambda i: (0, 0)),
            pl.BlockSpec((N, 16), lambda i: (0, 0)),
        ],
        out_specs=pl.BlockSpec((RT, 16), lambda i: (i, 0)),
        out_shape=jax.ShapeDtypeStruct((NPAD2, 16), jnp.float32),
        interpret=_INTERPRET,
    )(slot_row, p16)


def _knn_conv(d, a_full, ncols):
    citer = lax.broadcasted_iota(jnp.int32, d.shape, 1)
    m = jnp.full((d.shape[0], a_full.shape[1]), -jnp.inf, jnp.float32)
    for _ in range(KNN):
        cur = jnp.min(d, axis=1, keepdims=True)
        idx = jnp.min(jnp.where(d == cur, citer, ncols), axis=1, keepdims=True)
        sel = citer == idx
        oh = sel.astype(jnp.float32)
        gat = jnp.dot(oh, a_full, preferred_element_type=jnp.float32)
        m = jnp.maximum(m, gat)
        d = jnp.where(sel, jnp.inf, d)
    return m


def _stage1_body(p16c_ref, p8t_ref, p16_ref, btrow_ref, bc_ref,
                 w1sum_ref, w1b_ref, b1_ref, h_ref):
    rows = p16c_ref[...]
    g = _dot3(rows[:, 0:1], rows[:, 1:2], rows[:, 2:3],
              p8t_ref[0:1, :], p8t_ref[1:2, :], p8t_ref[2:3, :])
    sqi = rows[:, 3:4]
    sqj = p8t_ref[3:4, :]
    d = (sqi + sqj) - 2.0 * g
    d = jnp.where(btrow_ref[...] != bc_ref[...], jnp.inf, d)

    a1 = jnp.dot(p16_ref[...][:, :8], w1sum_ref[...],
                 preferred_element_type=jnp.float32)
    m = _knn_conv(d, a1, N)
    c = jnp.dot(rows[:, :8], w1b_ref[...],
                preferred_element_type=jnp.float32) - b1_ref[...]
    h_ref[...] = _silu(m - c)


def _run_stage1(p16c, p8t, p16, btrow, bc_col, w1sum8, w1b8, b1r):
    return pl.pallas_call(
        _stage1_body,
        grid=(NPAD2 // RT,),
        in_specs=[
            pl.BlockSpec((RT, 16), lambda i: (i, 0)),
            pl.BlockSpec((8, N), lambda i: (0, 0)),
            pl.BlockSpec((N, 16), lambda i: (0, 0)),
            pl.BlockSpec((1, N), lambda i: (0, 0)),
            pl.BlockSpec((RT, 1), lambda i: (i, 0)),
            pl.BlockSpec((8, 32), lambda i: (0, 0)),
            pl.BlockSpec((8, 32), lambda i: (0, 0)),
            pl.BlockSpec((1, 32), lambda i: (0, 0)),
        ],
        out_specs=pl.BlockSpec((RT, 32), lambda i: (i, 0)),
        out_shape=jax.ShapeDtypeStruct((NPAD2, 32), jnp.float32),
        interpret=_INTERPRET,
    )(p16c, p8t, p16, btrow, bc_col, w1sum8, w1b8, b1r)


def _stage2_body(p16c_ref, p2t_ref, h_ref, bcrow_ref, bc_ref, p16cfull_ref,
                 w2a_ref, w2b_ref, b2_ref, w3_ref, b3_ref, out_ref, gacc):
    i = pl.program_id(0)

    @pl.when(i == 0)
    def _():
        gacc[...] = jnp.full((8, 32), -jnp.inf, jnp.float32)

    rows = p16c_ref[...]
    g = _dot3(rows[:, 0:1], rows[:, 1:2], rows[:, 2:3],
              p2t_ref[0:1, :], p2t_ref[1:2, :], p2t_ref[2:3, :])
    sqi = rows[:, 3:4]
    sqj = p2t_ref[3:4, :]
    d = (sqi + sqj) - 2.0 * g
    d = jnp.where(bcrow_ref[...] != bc_ref[...], jnp.inf, d)

    a2 = (jnp.dot(h_ref[...], w2a_ref[...], preferred_element_type=jnp.float32)
          + jnp.dot(p16cfull_ref[...], w2b_ref[...],
                    preferred_element_type=jnp.float32))
    m = _knn_conv(d, a2, NPAD2)
    c = jnp.dot(rows, w2b_ref[...],
                preferred_element_type=jnp.float32) - b2_ref[...]
    h2 = _silu(m - c)

    bt = bc_ref[...]
    for gg in range(NG):
        red = jnp.max(jnp.where(bt == gg, h2, -jnp.inf), axis=0)
        gacc[gg, :] = jnp.maximum(gacc[gg, :], red)

    @pl.when(i == pl.num_programs(0) - 1)
    def _():
        out_ref[...] = (jnp.dot(gacc[...], w3_ref[...],
                                preferred_element_type=jnp.float32)
                        + b3_ref[...])


def kernel(pos, batch, W1, b1, W2, b2, W3, b3):
    pos = pos.astype(jnp.float32)
    batch = batch.astype(jnp.int32)
    sq = jnp.sum(pos * pos, axis=-1)

    starts = jnp.searchsorted(batch, jnp.arange(NG + 1, dtype=jnp.int32)
                              ).astype(jnp.int32)
    n = starts[1:] - starts[:-1]
    m = jnp.where(
        n > 0,
        jnp.maximum(1, jnp.ceil(0.5 * n.astype(jnp.float32)).astype(jnp.int32)),
        0,
    )
    off = jnp.concatenate([jnp.zeros(1, jnp.int32),
                           jnp.cumsum(m).astype(jnp.int32)])

    ranks = jnp.arange(N, dtype=jnp.int32)
    pidx_pack = jnp.clip(starts[:NG, None] + ranks[None, :], 0, N - 1)
    ppx = jnp.take(pos[:, 0], pidx_pack, axis=0)
    ppy = jnp.take(pos[:, 1], pidx_pack, axis=0)
    ppz = jnp.take(pos[:, 2], pidx_pack, axis=0)
    meta = jnp.stack([n, m, off[:NG], jnp.zeros(NG, jnp.int32)],
                     axis=1).astype(jnp.int32)
    smax = jnp.max(m).reshape(1, 1).astype(jnp.int32)

    slot_p = _run_fps(smax, meta, ppx, ppy, ppz)
    rank_v = ranks - starts[batch]
    slot_row = slot_p.reshape(-1)[batch * N + rank_v].reshape(1, N)

    p16 = jnp.concatenate(
        [pos, sq[:, None], jnp.zeros((N, 12), jnp.float32)], axis=1)
    p16c = _run_compact(slot_row, p16)

    pidx = jnp.arange(NPAD2, dtype=jnp.int32)
    batch_c = jnp.sum(pidx[:, None] >= off[None, 1:], axis=1).astype(jnp.int32)

    p8t = p16[:, :8].T
    btrow = batch.reshape(1, N)
    bc_col = batch_c.reshape(NPAD2, 1)

    w1sum8 = jnp.concatenate([W1[:3] + W1[3:], jnp.zeros((5, 32))], axis=0)
    w1b8 = jnp.concatenate([W1[3:], jnp.zeros((5, 32))], axis=0)
    h = _run_stage1(p16c, p8t, p16, btrow, bc_col,
                    w1sum8.astype(jnp.float32), w1b8.astype(jnp.float32),
                    b1.reshape(1, 32).astype(jnp.float32))

    p2t = p16c.T
    bcrow = batch_c.reshape(1, NPAD2)
    w2a = W2[:32].astype(jnp.float32)
    w2b16 = jnp.concatenate([W2[32:], jnp.zeros((13, 32))], axis=0
                            ).astype(jnp.float32)

    out = pl.pallas_call(
        _stage2_body,
        grid=(NPAD2 // RT,),
        in_specs=[
            pl.BlockSpec((RT, 16), lambda i: (i, 0)),
            pl.BlockSpec((16, NPAD2), lambda i: (0, 0)),
            pl.BlockSpec((NPAD2, 32), lambda i: (0, 0)),
            pl.BlockSpec((1, NPAD2), lambda i: (0, 0)),
            pl.BlockSpec((RT, 1), lambda i: (i, 0)),
            pl.BlockSpec((NPAD2, 16), lambda i: (0, 0)),
            pl.BlockSpec((32, 32), lambda i: (0, 0)),
            pl.BlockSpec((16, 32), lambda i: (0, 0)),
            pl.BlockSpec((1, 32), lambda i: (0, 0)),
            pl.BlockSpec((32, 128), lambda i: (0, 0)),
            pl.BlockSpec((1, 128), lambda i: (0, 0)),
        ],
        out_specs=pl.BlockSpec((NG, 128), lambda i: (0, 0)),
        out_shape=jax.ShapeDtypeStruct((NG, 128), jnp.float32),
        scratch_shapes=[pltpu.VMEM((8, 32), jnp.float32)],
        interpret=_INTERPRET,
    )(p16c, p2t, h, bcrow, bc_col, p16c,
      w2a, w2b16, b2.reshape(1, 32).astype(jnp.float32),
      W3.astype(jnp.float32), b3.reshape(1, 128).astype(jnp.float32))
    return out

# --- scband reference (transcript-rebuilt; emitter-appended) ---
"""Pipeline reference for scband-point-net-encoder-29197187678656 (READ-ONLY COPY).

The authoritative reference and input builder live on the scoring server;
editing this copy changes nothing except your own understanding.
"""

import jax, jax.numpy as jnp
import numpy as np

K = 16
ZDIM = 128
NUM_GRAPHS = 8


def knn_graph(pos, batch, k):
    # PyG knn_graph(pos, k, batch, loop=True, flow='source_to_target'):
    # for each center node i, edges (j -> i) from the k nearest j in the same graph
    # (self-loop included since loop=True).
    N = pos.shape[0]
    sq = jnp.sum(pos * pos, axis=-1)
    d = sq[:, None] + sq[None, :] - 2.0 * (pos @ pos.T)
    d = jnp.where(batch[:, None] != batch[None, :], jnp.inf, d)
    _, nbr = jax.lax.top_k(-d, k)  # [N, k] neighbor (source) indices per center i
    src = nbr.reshape(-1)
    dst = jnp.repeat(jnp.arange(N), k)
    return jnp.stack([src, dst])  # edge_index[0]=j (source), edge_index[1]=i (target)


def fps(pos, batch, ratio):
    # Farthest point sampling per graph, ceil(ratio*n) samples, deterministic start
    # at the first point of each segment (PyG uses random_start=True; deterministic
    # here for reproducibility). Index computation is non-differentiable, matching torch.
    N = pos.shape[0]
    T = int(np.ceil(ratio * N))

    def per_graph(b):
        mask = batch == b
        n = jnp.sum(mask)
        m = jnp.where(
            n > 0,
            jnp.maximum(1, jnp.ceil(ratio * n).astype(jnp.int32)),
            0,
        )
        start = jnp.argmax(mask)
        d0 = jnp.sum((pos - pos[start]) ** 2, axis=1)
        d0 = jnp.where(mask, d0, -1.0)
        sel0 = jnp.zeros(T, dtype=jnp.int32).at[0].set(start.astype(jnp.int32))

        def body(t, carry):
            sel, d = carry
            nxt = jnp.argmax(d)
            sel = sel.at[t].set(nxt.astype(jnp.int32))
            dn = jnp.sum((pos - pos[nxt]) ** 2, axis=1)
            d = jnp.where(mask, jnp.minimum(d, dn), -1.0)
            return sel, d

        sel, _ = jax.lax.fori_loop(1, T, body, (sel0, d0))
        valid = jnp.arange(T) < m
        return sel, valid

    sel, valid = jax.vmap(per_graph)(jnp.arange(NUM_GRAPHS))
    return sel.reshape(-1), valid.reshape(-1)


def pointnet_conv(x, pos, edge_index, W, b):
    # PointNetConv: msg = local_nn(cat([x_j, pos_j - pos_i])); max-aggr at i; global_nn=SiLU.
    # local_nn = MLP([in, 32], plain_last=True) == single Linear (no activation).
    j = edge_index[0]
    i = edge_index[1]
    msg = jnp.concatenate([x[j], pos[j] - pos[i]], axis=-1) @ W + b
    aggr = jax.ops.segment_max(msg, i, num_segments=pos.shape[0])
    return jax.nn.silu(aggr)


def setup_inputs(seed: int = 0) -> dict:
    key = jax.random.key(seed)
    ks = jax.random.split(key, 8)
    N = 4096
    pos = jax.random.normal(ks[0], (N, 3), dtype=jnp.float32)
    batch = jnp.sort(jax.random.randint(ks[1], (N,), 0, NUM_GRAPHS))
    W1 = jax.random.normal(ks[2], (6, 32), dtype=jnp.float32) * 0.40
    b1 = jax.random.normal(ks[3], (32,), dtype=jnp.float32) * 0.05
    W2 = jax.random.normal(ks[4], (35, 32), dtype=jnp.float32) * 0.17
    b2 = jax.random.normal(ks[5], (32,), dtype=jnp.float32) * 0.05
    W3 = jax.random.normal(ks[6], (32, ZDIM), dtype=jnp.float32) * 0.17
    b3 = jax.random.normal(ks[7], (ZDIM,), dtype=jnp.float32) * 0.05
    return {"pos": pos, "batch": batch, "W1": W1, "b1": b1, "W2": W2, "b2": b2, "W3": W3, "b3": b3}


def reference(pos, batch, W1, b1, W2, b2, W3, b3):
    edge_index = knn_graph(pos, batch, K)
    h = pointnet_conv(pos, pos, edge_index, W1, b1)
    index, valid = fps(pos, batch, 0.5)
    h = h[index]
    pos2 = pos[index]
    batch2 = jnp.where(valid, batch[index], NUM_GRAPHS)
    edge_index = knn_graph(pos2, batch2, K)
    h = pointnet_conv(h, pos2, edge_index, W2, b2)
    g = jax.ops.segment_max(h, batch2, num_segments=NUM_GRAPHS + 1)[:NUM_GRAPHS]
    return g @ W3 + b3

if __name__ == "__main__":
    import jax
    _d = setup_inputs()
    print(jax.jit(kernel)(*tuple(_d.values())))

</pallas_src>

<mosaic_0001>
module attributes {stable_mosaic.version = 14 : i64} {
  func.func @_fps_body(%arg0: memref<1x1xi32, #tpu.memory_space<smem>>, %arg1: memref<8x4xi32, #tpu.memory_space<vmem>>, %arg2: memref<8x4096xf32, #tpu.memory_space<vmem>>, %arg3: memref<8x4096xf32, #tpu.memory_space<vmem>>, %arg4: memref<8x4096xf32, #tpu.memory_space<vmem>>, %arg5: memref<8x4096xi32, #tpu.memory_space<vmem>>) attributes {dimension_semantics = [], scalar_prefetch = 0 : i64, scratch_operands = 0 : i64, tpu.core_type = #tpu.core_type<tc>} {
    %iota3A = tpu.iota {dimensions = array<i32: 1>} : vector<8x4096xi32>
    %get3A = arith.constant 0 : index
    %get3A_0 = arith.constant 0 : index
    %get3A_1 = vector.load %arg1[%get3A, %get3A_0] : memref<8x4xi32, #tpu.memory_space<vmem>>, vector<8x4xi32>
    %slice3A = vector.extract_strided_slice %get3A_1 {offsets = [0, 0], sizes = [8, 1], strides = [1, 1]} : vector<8x4xi32> to vector<8x1xi32>
    %slice3A_2 = vector.extract_strided_slice %get3A_1 {offsets = [0, 1], sizes = [8, 1], strides = [1, 1]} : vector<8x4xi32> to vector<8x1xi32>
    %slice3A_3 = vector.extract_strided_slice %get3A_1 {offsets = [0, 2], sizes = [8, 1], strides = [1, 1]} : vector<8x4xi32> to vector<8x1xi32>
    %lt3A = vector.broadcast %slice3A : vector<8x1xi32> to vector<8x4096xi32>
    %lt3A_4 = arith.cmpi slt, %iota3A, %lt3A : vector<8x4096xi32>
    %get3A_5 = arith.constant 0 : index
    %get3A_6 = arith.constant 0 : index
    %get3A_7 = vector.load %arg2[%get3A_5, %get3A_6] : memref<8x4096xf32, #tpu.memory_space<vmem>>, vector<8x4096xf32>
    %get3A_8 = arith.constant 0 : index
    %get3A_9 = arith.constant 0 : index
    %get3A_10 = vector.load %arg3[%get3A_8, %get3A_9] : memref<8x4096xf32, #tpu.memory_space<vmem>>, vector<8x4096xf32>
    %get3A_11 = arith.constant 0 : index
    %get3A_12 = arith.constant 0 : index
    %get3A_13 = vector.load %arg4[%get3A_11, %get3A_12] : memref<8x4096xf32, #tpu.memory_space<vmem>>, vector<8x4096xf32>
    %slice3A_14 = vector.extract_strided_slice %get3A_7 {offsets = [0, 0], sizes = [8, 1], strides = [1, 1]} : vector<8x4096xf32> to vector<8x1xf32>
    %sub3A = vector.broadcast %slice3A_14 : vector<8x1xf32> to vector<8x4096xf32>
    %sub3A_15 = arith.subf %get3A_7, %sub3A : vector<8x4096xf32>
    %slice3A_16 = vector.extract_strided_slice %get3A_10 {offsets = [0, 0], sizes = [8, 1], strides = [1, 1]} : vector<8x4096xf32> to vector<8x1xf32>
    %sub3A_17 = vector.broadcast %slice3A_16 : vector<8x1xf32> to vector<8x4096xf32>
    %sub3A_18 = arith.subf %get3A_10, %sub3A_17 : vector<8x4096xf32>
    %slice3A_19 = vector.extract_strided_slice %get3A_13 {offsets = [0, 0], sizes = [8, 1], strides = [1, 1]} : vector<8x4096xf32> to vector<8x1xf32>
    %sub3A_20 = vector.broadcast %slice3A_19 : vector<8x1xf32> to vector<8x4096xf32>
    %sub3A_21 = arith.subf %get3A_13, %sub3A_20 : vector<8x4096xf32>
    %mul3A = arith.mulf %sub3A_15, %sub3A_15 : vector<8x4096xf32>
    %mul3A_22 = arith.mulf %sub3A_18, %sub3A_18 : vector<8x4096xf32>
    %add3A = arith.addf %mul3A, %mul3A_22 : vector<8x4096xf32>
    %mul3A_23 = arith.mulf %sub3A_21, %sub3A_21 : vector<8x4096xf32>
    %add3A_24 = arith.addf %add3A, %mul3A_23 : vector<8x4096xf32>
    %jit3A = arith.constant -1.000000e+00 : f32
    %broadcast_in_dim3A = vector.broadcast %jit3A : f32 to vector<8x4096xf32>
    %select_n3A = arith.select %lt3A_4, %add3A_24, %broadcast_in_dim3A : vector<8x4096xi1>, vector<8x4096xf32>
    %eq3A = arith.constant 0 : i32
    %eq3A_25 = vector.broadcast %eq3A : i32 to vector<8x4096xi32>
    %eq3A_26 = arith.cmpi eq, %iota3A, %eq3A_25 : vector<8x4096xi32>
    %gt3A = arith.constant 0 : i32
    %gt3A_27 = vector.broadcast %gt3A : i32 to vector<8x1xi32>
    %gt3A_28 = arith.cmpi sgt, %slice3A_2, %gt3A_27 : vector<8x1xi32>
    %and3A = vector.broadcast %gt3A_28 : vector<8x1xi1> to vector<8x4096xi1>
    %and3A_29 = arith.andi %eq3A_26, %and3A : vector<8x4096xi1>
    %jit3A_30 = arith.constant 67108864 : i32
    %broadcast_in_dim3A_31 = vector.shape_cast %slice3A_3 : vector<8x1xi32> to vector<8x1xi32>
    %broadcast_in_dim3A_32 = vector.broadcast %broadcast_in_dim3A_31 : vector<8x1xi32> to vector<8x4096xi32>
    %broadcast_in_dim3A_33 = vector.broadcast %jit3A_30 : i32 to vector<8x4096xi32>
    %select_n3A_34 = arith.select %and3A_29, %broadcast_in_dim3A_32, %broadcast_in_dim3A_33 : vector<8x4096xi1>, vector<8x4096xi32>
    %swap3A = arith.constant 0 : index
    %swap3A_35 = arith.constant 0 : index
    %swap3A_36 = vector.load %arg5[%swap3A, %swap3A_35] : memref<8x4096xi32, #tpu.memory_space<vmem>>, vector<8x4096xi32>
    tpu.vector_store %arg5[%swap3A, %swap3A_35], %select_n3A_34 {strides = array<i32>} : memref<8x4096xi32, #tpu.memory_space<vmem>>, vector<8x4096xi32>,
    %get3A_37 = arith.constant 0 : index
    %get3A_38 = arith.constant 0 : index
    %get3A_39 = memref.load %arg0[%get3A_37, %get3A_38] : memref<1x1xi32, #tpu.memory_space<smem>>
    %while3A = arith.constant 1 : i32
    %while3A_40 = arith.subi %get3A_39, %while3A : i32
    %while3A_41 = arith.addi %while3A, %while3A_40 : i32
    %while3A_42 = arith.constant 1 : i32
    %while3A_43 = arith.divsi %while3A_40, %while3A_42 : i32
    %while3A_44 = arith.muli %while3A_43, %while3A_42 : i32
    %while3A_45 = arith.addi %while3A, %while3A_44 : i32
    %while3A_46 = arith.constant 1 : i32
    %while3A_47 = scf.for %while3A_50 = %while3A to %while3A_45 step %while3A_46 iter_args(%while3A_51 = %select_n3A) -> (vector<8x4096xf32>)  : i32 {
      %lt3A_52 = vector.broadcast %while3A_50 : i32 to vector<8x1xi32>
      %lt3A_53 = arith.cmpi slt, %lt3A_52, %slice3A_2 : vector<8x1xi32>
      %reduce_max3A = arith.constant dense<0xFF800000> : vector<8xf32>
      %reduce_max3A_54 = vector.multi_reduction <maximumf>, %while3A_51, %reduce_max3A [1] : vector<8x4096xf32> to vector<8xf32>
      %broadcast_in_dim3A_55 = vector.shape_cast %reduce_max3A_54 : vector<8xf32> to vector<8x1xf32>
      %eq3A_56 = vector.broadcast %broadcast_in_dim3A_55 : vector<8x1xf32> to vector<8x4096xf32>
      %eq3A_57 = arith.cmpf oeq, %while3A_51, %eq3A_56 : vector<8x4096xf32>
      %jit3A_58 = arith.constant 4096 : i32
      %broadcast_in_dim3A_59 = vector.broadcast %jit3A_58 : i32 to vector<8x4096xi32>
      %select_n3A_60 = arith.select %eq3A_57, %iota3A, %broadcast_in_dim3A_59 : vector<8x4096xi1>, vector<8x4096xi32>
      %reduce_min3A = arith.constant dense<2147483647> : vector<8xi32>
      %reduce_min3A_61 = vector.multi_reduction <minsi>, %select_n3A_60, %reduce_min3A [1] : vector<8x4096xi32> to vector<8xi32>
      %broadcast_in_dim3A_62 = vector.shape_cast %reduce_min3A_61 : vector<8xi32> to vector<8x1xi32>
      %eq3A_63 = vector.broadcast %broadcast_in_dim3A_62 : vector<8x1xi32> to vector<8x4096xi32>
      %eq3A_64 = arith.cmpi eq, %iota3A, %eq3A_63 : vector<8x4096xi32>
      %jit3A_65 = arith.constant 0.000000e+00 : f32
      %broadcast_in_dim3A_66 = vector.broadcast %jit3A_65 : f32 to vector<8x4096xf32>
      %select_n3A_67 = arith.select %eq3A_64, %get3A_7, %broadcast_in_dim3A_66 : vector<8x4096xi1>, vector<8x4096xf32>
      %reduce_sum3A = arith.constant dense<0.000000e+00> : vector<8xf32>
      %reduce_sum3A_68 = vector.multi_reduction <add>, %select_n3A_67, %reduce_sum3A [1] : vector<8x4096xf32> to vector<8xf32>
      %broadcast_in_dim3A_69 = vector.shape_cast %reduce_sum3A_68 : vector<8xf32> to vector<8x1xf32>
      %jit3A_70 = arith.constant 0.000000e+00 : f32
      %broadcast_in_dim3A_71 = vector.broadcast %jit3A_70 : f32 to vector<8x4096xf32>
      %select_n3A_72 = arith.select %eq3A_64, %get3A_10, %broadcast_in_dim3A_71 : vector<8x4096xi1>, vector<8x4096xf32>
      %reduce_sum3A_73 = arith.constant dense<0.000000e+00> : vector<8xf32>
      %reduce_sum3A_74 = vector.multi_reduction <add>, %select_n3A_72, %reduce_sum3A_73 [1] : vector<8x4096xf32> to vector<8xf32>
      %broadcast_in_dim3A_75 = vector.shape_cast %reduce_sum3A_74 : vector<8xf32> to vector<8x1xf32>
      %jit3A_76 = arith.constant 0.000000e+00 : f32
      %broadcast_in_dim3A_77 = vector.broadcast %jit3A_76 : f32 to vector<8x4096xf32>
      %select_n3A_78 = arith.select %eq3A_64, %get3A_13, %broadcast_in_dim3A_77 : vector<8x4096xi1>, vector<8x4096xf32>
      %reduce_sum3A_79 = arith.constant dense<0.000000e+00> : vector<8xf32>
      %reduce_sum3A_80 = vector.multi_reduction <add>, %select_n3A_78, %reduce_sum3A_79 [1] : vector<8x4096xf32> to vector<8xf32>
      %broadcast_in_dim3A_81 = vector.shape_cast %reduce_sum3A_80 : vector<8xf32> to vector<8x1xf32>
      %sub3A_82 = vector.broadcast %broadcast_in_dim3A_69 : vector<8x1xf32> to vector<8x4096xf32>
      %sub3A_83 = arith.subf %get3A_7, %sub3A_82 : vector<8x4096xf32>
      %sub3A_84 = vector.broadcast %broadcast_in_dim3A_75 : vector<8x1xf32> to vector<8x4096xf32>
      %sub3A_85 = arith.subf %get3A_10, %sub3A_84 : vector<8x4096xf32>
      %sub3A_86 = vector.broadcast %broadcast_in_dim3A_81 : vector<8x1xf32> to vector<8x4096xf32>
      %sub3A_87 = arith.subf %get3A_13, %sub3A_86 : vector<8x4096xf32>
      %mul3A_88 = arith.mulf %sub3A_83, %sub3A_83 : vector<8x4096xf32>
      %mul3A_89 = arith.mulf %sub3A_85, %sub3A_85 : vector<8x4096xf32>
      %add3A_90 = arith.addf %mul3A_88, %mul3A_89 : vector<8x4096xf32>
      %mul3A_91 = arith.mulf %sub3A_87, %sub3A_87 : vector<8x4096xf32>
      %add3A_92 = arith.addf %add3A_90, %mul3A_91 : vector<8x4096xf32>
      %and3A_93 = vector.broadcast %lt3A_53 : vector<8x1xi1> to vector<8x4096xi1>
      %and3A_94 = arith.andi %and3A_93, %lt3A_4 : vector<8x4096xi1>
      %min3A = arith.minimumf %while3A_51, %add3A_92 : vector<8x4096xf32>
      %select_n3A_95 = arith.select %and3A_94, %min3A, %while3A_51 : vector<8x4096xi1>, vector<8x4096xf32>
      %and3A_96 = vector.broadcast %lt3A_53 : vector<8x1xi1> to vector<8x4096xi1>
      %and3A_97 = arith.andi %eq3A_64, %and3A_96 : vector<8x4096xi1>
      %add3A_98 = vector.broadcast %while3A_50 : i32 to vector<8x1xi32>
      %add3A_99 = arith.addi %slice3A_3, %add3A_98 : vector<8x1xi32>
      %get3A_100 = arith.constant 0 : index
      %get3A_101 = arith.constant 0 : index
      %get3A_102 = vector.load %arg5[%get3A_100, %get3A_101] : memref<8x4096xi32, #tpu.memory_space<vmem>>, vector<8x4096xi32>
      %broadcast_in_dim3A_103 = vector.shape_cast %add3A_99 : vector<8x1xi32> to vector<8x1xi32>
      %broadcast_in_dim3A_104 = vector.broadcast %broadcast_in_dim3A_103 : vector<8x1xi32> to vector<8x4096xi32>
      %select_n3A_105 = arith.select %and3A_97, %broadcast_in_dim3A_104, %get3A_102 : vector<8x4096xi1>, vector<8x4096xi32>
      %swap3A_106 = arith.constant 0 : index
      %swap3A_107 = arith.constant 0 : index
      %swap3A_108 = vector.load %arg5[%swap3A_106, %swap3A_107] : memref<8x4096xi32, #tpu.memory_space<vmem>>, vector<8x4096xi32>
      tpu.vector_store %arg5[%swap3A_106, %swap3A_107], %select_n3A_105 {strides = array<i32>} : memref<8x4096xi32, #tpu.memory_space<vmem>>, vector<8x4096xi32>,
      scf.yield %select_n3A_95 : vector<8x4096xf32>
    }
    %while3A_48 = arith.constant 1 : i32
    %while3A_49 = scf.for %while3A_50 = %while3A_45 to %while3A_41 step %while3A_48 iter_args(%while3A_51 = %while3A_47) -> (vector<8x4096xf32>)  : i32 {
      %lt3A_52 = vector.broadcast %while3A_50 : i32 to vector<8x1xi32>
      %lt3A_53 = arith.cmpi slt, %lt3A_52, %slice3A_2 : vector<8x1xi32>
      %reduce_max3A = arith.constant dense<0xFF800000> : vector<8xf32>
      %reduce_max3A_54 = vector.multi_reduction <maximumf>, %while3A_51, %reduce_max3A [1] : vector<8x4096xf32> to vector<8xf32>
      %broadcast_in_dim3A_55 = vector.shape_cast %reduce_max3A_54 : vector<8xf32> to vector<8x1xf32>
      %eq3A_56 = vector.broadcast %broadcast_in_dim3A_55 : vector<8x1xf32> to vector<8x4096xf32>
      %eq3A_57 = arith.cmpf oeq, %while3A_51, %eq3A_56 : vector<8x4096xf32>
      %jit3A_58 = arith.constant 4096 : i32
      %broadcast_in_dim3A_59 = vector.broadcast %jit3A_58 : i32 to vector<8x4096xi32>
      %select_n3A_60 = arith.select %eq3A_57, %iota3A, %broadcast_in_dim3A_59 : vector<8x4096xi1>, vector<8x4096xi32>
      %reduce_min3A = arith.constant dense<2147483647> : vector<8xi32>
      %reduce_min3A_61 = vector.multi_reduction <minsi>, %select_n3A_60, %reduce_min3A [1] : vector<8x4096xi32> to vector<8xi32>
      %broadcast_in_dim3A_62 = vector.shape_cast %reduce_min3A_61 : vector<8xi32> to vector<8x1xi32>
      %eq3A_63 = vector.broadcast %broadcast_in_dim3A_62 : vector<8x1xi32> to vector<8x4096xi32>
      %eq3A_64 = arith.cmpi eq, %iota3A, %eq3A_63 : vector<8x4096xi32>
      %jit3A_65 = arith.constant 0.000000e+00 : f32
      %broadcast_in_dim3A_66 = vector.broadcast %jit3A_65 : f32 to vector<8x4096xf32>
      %select_n3A_67 = arith.select %eq3A_64, %get3A_7, %broadcast_in_dim3A_66 : vector<8x4096xi1>, vector<8x4096xf32>
      %reduce_sum3A = arith.constant dense<0.000000e+00> : vector<8xf32>
      %reduce_sum3A_68 = vector.multi_reduction <add>, %select_n3A_67, %reduce_sum3A [1] : vector<8x4096xf32> to vector<8xf32>
      %broadcast_in_dim3A_69 = vector.shape_cast %reduce_sum3A_68 : vector<8xf32> to vector<8x1xf32>
      %jit3A_70 = arith.constant 0.000000e+00 : f32
      %broadcast_in_dim3A_71 = vector.broadcast %jit3A_70 : f32 to vector<8x4096xf32>
      %select_n3A_72 = arith.select %eq3A_64, %get3A_10, %broadcast_in_dim3A_71 : vector<8x4096xi1>, vector<8x4096xf32>
      %reduce_sum3A_73 = arith.constant dense<0.000000e+00> : vector<8xf32>
      %reduce_sum3A_74 = vector.multi_reduction <add>, %select_n3A_72, %reduce_sum3A_73 [1] : vector<8x4096xf32> to vector<8xf32>
      %broadcast_in_dim3A_75 = vector.shape_cast %reduce_sum3A_74 : vector<8xf32> to vector<8x1xf32>
      %jit3A_76 = arith.constant 0.000000e+00 : f32
      %broadcast_in_dim3A_77 = vector.broadcast %jit3A_76 : f32 to vector<8x4096xf32>
      %select_n3A_78 = arith.select %eq3A_64, %get3A_13, %broadcast_in_dim3A_77 : vector<8x4096xi1>, vector<8x4096xf32>
      %reduce_sum3A_79 = arith.constant dense<0.000000e+00> : vector<8xf32>
      %reduce_sum3A_80 = vector.multi_reduction <add>, %select_n3A_78, %reduce_sum3A_79 [1] : vector<8x4096xf32> to vector<8xf32>
      %broadcast_in_dim3A_81 = vector.shape_cast %reduce_sum3A_80 : vector<8xf32> to vector<8x1xf32>
      %sub3A_82 = vector.broadcast %broadcast_in_dim3A_69 : vector<8x1xf32> to vector<8x4096xf32>
      %sub3A_83 = arith.subf %get3A_7, %sub3A_82 : vector<8x4096xf32>
      %sub3A_84 = vector.broadcast %broadcast_in_dim3A_75 : vector<8x1xf32> to vector<8x4096xf32>
      %sub3A_85 = arith.subf %get3A_10, %sub3A_84 : vector<8x4096xf32>
      %sub3A_86 = vector.broadcast %broadcast_in_dim3A_81 : vector<8x1xf32> to vector<8x4096xf32>
      %sub3A_87 = arith.subf %get3A_13, %sub3A_86 : vector<8x4096xf32>
      %mul3A_88 = arith.mulf %sub3A_83, %sub3A_83 : vector<8x4096xf32>
      %mul3A_89 = arith.mulf %sub3A_85, %sub3A_85 : vector<8x4096xf32>
      %add3A_90 = arith.addf %mul3A_88, %mul3A_89 : vector<8x4096xf32>
      %mul3A_91 = arith.mulf %sub3A_87, %sub3A_87 : vector<8x4096xf32>
      %add3A_92 = arith.addf %add3A_90, %mul3A_91 : vector<8x4096xf32>
      %and3A_93 = vector.broadcast %lt3A_53 : vector<8x1xi1> to vector<8x4096xi1>
      %and3A_94 = arith.andi %and3A_93, %lt3A_4 : vector<8x4096xi1>
      %min3A = arith.minimumf %while3A_51, %add3A_92 : vector<8x4096xf32>
      %select_n3A_95 = arith.select %and3A_94, %min3A, %while3A_51 : vector<8x4096xi1>, vector<8x4096xf32>
      %and3A_96 = vector.broadcast %lt3A_53 : vector<8x1xi1> to vector<8x4096xi1>
      %and3A_97 = arith.andi %eq3A_64, %and3A_96 : vector<8x4096xi1>
      %add3A_98 = vector.broadcast %while3A_50 : i32 to vector<8x1xi32>
      %add3A_99 = arith.addi %slice3A_3, %add3A_98 : vector<8x1xi32>
      %get3A_100 = arith.constant 0 : index
      %get3A_101 = arith.constant 0 : index
      %get3A_102 = vector.load %arg5[%get3A_100, %get3A_101] : memref<8x4096xi32, #tpu.memory_space<vmem>>, vector<8x4096xi32>
      %broadcast_in_dim3A_103 = vector.shape_cast %add3A_99 : vector<8x1xi32> to vector<8x1xi32>
      %broadcast_in_dim3A_104 = vector.broadcast %broadcast_in_dim3A_103 : vector<8x1xi32> to vector<8x4096xi32>
      %select_n3A_105 = arith.select %and3A_97, %broadcast_in_dim3A_104, %get3A_102 : vector<8x4096xi1>, vector<8x4096xi32>
      %swap3A_106 = arith.constant 0 : index
      %swap3A_107 = arith.constant 0 : index
      %swap3A_108 = vector.load %arg5[%swap3A_106, %swap3A_107] : memref<8x4096xi32, #tpu.memory_space<vmem>>, vector<8x4096xi32>
      tpu.vector_store %arg5[%swap3A_106, %swap3A_107], %select_n3A_105 {strides = array<i32>} : memref<8x4096xi32, #tpu.memory_space<vmem>>, vector<8x4096xi32>,
      scf.yield %select_n3A_95 : vector<8x4096xf32>
    }
    return
  }
}

module attributes {stable_mosaic.version = 14 : i64} {
  func.func @_compact_body(%arg0: i32, %arg1: memref<1x4096xi32, #tpu.memory_space<vmem>>, %arg2: memref<4096x16xf32, #tpu.memory_space<vmem>>, %arg3: memref<256x16xf32, #tpu.memory_space<vmem>>) attributes {dimension_semantics = [#tpu.dimension_semantics<arbitrary>], iteration_bounds = array<i64: 9>, scalar_prefetch = 0 : i64, scratch_operands = 0 : i64, tpu.core_type = #tpu.core_type<tc>, window_params = [{pipeline_mode = #tpu.pipeline_mode<synchronous>, transform_indices = @transform_0, window_bounds = array<i64: 1, 4096>}, {pipeline_mode = #tpu.pipeline_mode<synchronous>, transform_indices = @transform_1, window_bounds = array<i64: 4096, 16>}, {transform_indices = @transform_2, window_bounds = array<i64: 256, 16>}]} {
    %mul3A = arith.constant 256 : i32
    %mul3A_0 = arith.muli %arg0, %mul3A : i32
    %iota3A = tpu.iota {dimensions = array<i32: 0>} : vector<256x1xi32>
    %add3A = vector.broadcast %mul3A_0 : i32 to vector<256x1xi32>
    %add3A_1 = arith.addi %add3A, %iota3A : vector<256x1xi32>
    %get3A = arith.constant 0 : index
    %get3A_2 = arith.constant 0 : index
    %get3A_3 = vector.load %arg1[%get3A, %get3A_2] : memref<1x4096xi32, #tpu.memory_space<vmem>>, vector<1x4096xi32>
    %eq3A = vector.broadcast %get3A_3 : vector<1x4096xi32> to vector<256x4096xi32>
    %eq3A_4 = vector.broadcast %add3A_1 : vector<256x1xi32> to vector<256x4096xi32>
    %eq3A_5 = arith.cmpi eq, %eq3A, %eq3A_4 : vector<256x4096xi32>
    %convert_element_type3A = arith.extui %eq3A_5 : vector<256x4096xi1> to vector<256x4096xi32>
    %convert_element_type3A_6 = arith.sitofp %convert_element_type3A : vector<256x4096xi32> to vector<256x4096xf32>
    %get3A_7 = arith.constant 0 : index
    %get3A_8 = arith.constant 0 : index
    %get3A_9 = vector.load %arg2[%get3A_7, %get3A_8] : memref<4096x16xf32, #tpu.memory_space<vmem>>, vector<4096x16xf32>
    %dot_general3A = arith.constant dense<0.000000e+00> : vector<256x16xf32>
    %dot_general3A_10 = tpu.matmul %convert_element_type3A_6, %get3A_9, %dot_general3A {dimension_numbers = #tpu.dot_dimension_numbers<[1], [0], [0], [1], [0, 0, 1, 1], [], []>, transpose_lhs_hint = false} : vector<256x4096xf32>, vector<4096x16xf32>, vector<256x16xf32> -> vector<256x16xf32>
    %swap3A = arith.constant 0 : index
    %swap3A_11 = arith.constant 0 : index
    %swap3A_12 = vector.load %arg3[%swap3A, %swap3A_11] : memref<256x16xf32, #tpu.memory_space<vmem>>, vector<256x16xf32>
    tpu.vector_store %arg3[%swap3A, %swap3A_11], %dot_general3A_10 {strides = array<i32>} : memref<256x16xf32, #tpu.memory_space<vmem>>, vector<256x16xf32>,
    return
  }
  func.func @transform_0(%arg0: i32) -> (i32, i32) {
    %c0_i32 = arith.constant 0 : i32
    %c0_i32_0 = arith.constant 0 : i32
    %c0_i32_1 = arith.constant 0 : i32
    return %c0_i32, %c0_i32_0 : i32, i32
  }
  func.func @transform_1(%arg0: i32) -> (i32, i32) {
    %c0_i32 = arith.constant 0 : i32
    %c0_i32_0 = arith.constant 0 : i32
    %c0_i32_1 = arith.constant 0 : i32
    return %c0_i32, %c0_i32_0 : i32, i32
  }
  func.func @transform_2(%arg0: i32) -> (i32, i32) {
    %c0_i32 = arith.constant 0 : i32
    %c0_i32_0 = arith.constant 0 : i32
    return %arg0, %c0_i32 : i32, i32
  }
}

module attributes {stable_mosaic.version = 14 : i64} {
  func.func @_stage1_body(%arg0: i32, %arg1: memref<256x16xf32, #tpu.memory_space<vmem>>, %arg2: memref<8x4096xf32, #tpu.memory_space<vmem>>, %arg3: memref<4096x16xf32, #tpu.memory_space<vmem>>, %arg4: memref<1x4096xi32, #tpu.memory_space<vmem>>, %arg5: memref<256x1xi32, #tpu.memory_space<vmem>>, %arg6: memref<8x32xf32, #tpu.memory_space<vmem>>, %arg7: memref<8x32xf32, #tpu.memory_space<vmem>>, %arg8: memref<1x32xf32, #tpu.memory_space<vmem>>, %arg9: memref<256x32xf32, #tpu.memory_space<vmem>>) attributes {dimension_semantics = [#tpu.dimension_semantics<arbitrary>], iteration_bounds = array<i64: 9>, scalar_prefetch = 0 : i64, scratch_operands = 0 : i64, tpu.core_type = #tpu.core_type<tc>, window_params = [{transform_indices = @transform_0, window_bounds = array<i64: 256, 16>}, {pipeline_mode = #tpu.pipeline_mode<synchronous>, transform_indices = @transform_1, window_bounds = array<i64: 8, 4096>}, {pipeline_mode = #tpu.pipeline_mode<synchronous>, transform_indices = @transform_2, window_bounds = array<i64: 4096, 16>}, {pipeline_mode = #tpu.pipeline_mode<synchronous>, transform_indices = @transform_3, window_bounds = array<i64: 1, 4096>}, {transform_indices = @transform_4, window_bounds = array<i64: 256, 1>}, {pipeline_mode = #tpu.pipeline_mode<synchronous>, transform_indices = @transform_5, window_bounds = array<i64: 8, 32>}, {pipeline_mode = #tpu.pipeline_mode<synchronous>, transform_indices = @transform_6, window_bounds = array<i64: 8, 32>}, {pipeline_mode = #tpu.pipeline_mode<synchronous>, transform_indices = @transform_7, window_bounds = array<i64: 1, 32>}, {transform_indices = @transform_8, window_bounds = array<i64: 256, 32>}]} {
    %get3A = arith.constant 0 : index
    %get3A_0 = arith.constant 0 : index
    %get3A_1 = vector.load %arg1[%get3A, %get3A_0] : memref<256x16xf32, #tpu.memory_space<vmem>>, vector<256x16xf32>
    %slice3A = vector.extract_strided_slice %get3A_1 {offsets = [0, 0], sizes = [256, 1], strides = [1, 1]} : vector<256x16xf32> to vector<256x1xf32>
    %slice3A_2 = vector.extract_strided_slice %get3A_1 {offsets = [0, 1], sizes = [256, 1], strides = [1, 1]} : vector<256x16xf32> to vector<256x1xf32>
    %slice3A_3 = vector.extract_strided_slice %get3A_1 {offsets = [0, 2], sizes = [256, 1], strides = [1, 1]} : vector<256x16xf32> to vector<256x1xf32>
    %get3A_4 = arith.constant 0 : index
    %get3A_5 = arith.constant 0 : index
    %get3A_6 = vector.load %arg2[%get3A_4, %get3A_5] : memref<8x4096xf32, #tpu.memory_space<vmem>>, vector<1x4096xf32>
    %get3A_7 = arith.constant 1 : index
    %get3A_8 = arith.constant 0 : index
    %get3A_9 = vector.load %arg2[%get3A_7, %get3A_8] : memref<8x4096xf32, #tpu.memory_space<vmem>>, vector<1x4096xf32>
    %get3A_10 = arith.constant 2 : index
    %get3A_11 = arith.constant 0 : index
    %get3A_12 = vector.load %arg2[%get3A_10, %get3A_11] : memref<8x4096xf32, #tpu.memory_space<vmem>>, vector<1x4096xf32>
    %convert_element_type3A = arith.truncf %slice3A : vector<256x1xf32> to vector<256x1xbf16>
    %convert_element_type3A_13 = arith.extf %convert_element_type3A : vector<256x1xbf16> to vector<256x1xf32>
    %sub3A = arith.subf %slice3A, %convert_element_type3A_13 : vector<256x1xf32>
    %convert_element_type3A_14 = arith.truncf %sub3A : vector<256x1xf32> to vector<256x1xbf16>
    %convert_element_type3A_15 = arith.extf %convert_element_type3A_14 : vector<256x1xbf16> to vector<256x1xf32>
    %convert_element_type3A_16 = arith.truncf %slice3A_2 : vector<256x1xf32> to vector<256x1xbf16>
    %convert_element_type3A_17 = arith.extf %convert_element_type3A_16 : vector<256x1xbf16> to vector<256x1xf32>
    %sub3A_18 = arith.subf %slice3A_2, %convert_element_type3A_17 : vector<256x1xf32>
    %convert_element_type3A_19 = arith.truncf %sub3A_18 : vector<256x1xf32> to vector<256x1xbf16>
    %convert_element_type3A_20 = arith.extf %convert_element_type3A_19 : vector<256x1xbf16> to vector<256x1xf32>
    %convert_element_type3A_21 = arith.truncf %slice3A_3 : vector<256x1xf32> to vector<256x1xbf16>
    %convert_element_type3A_22 = arith.extf %convert_element_type3A_21 : vector<256x1xbf16> to vector<256x1xf32>
    %sub3A_23 = arith.subf %slice3A_3, %convert_element_type3A_22 : vector<256x1xf32>
    %convert_element_type3A_24 = arith.truncf %sub3A_23 : vector<256x1xf32> to vector<256x1xbf16>
    %convert_element_type3A_25 = arith.extf %convert_element_type3A_24 : vector<256x1xbf16> to vector<256x1xf32>
    %convert_element_type3A_26 = arith.truncf %get3A_6 : vector<1x4096xf32> to vector<1x4096xbf16>
    %convert_element_type3A_27 = arith.extf %convert_element_type3A_26 : vector<1x4096xbf16> to vector<1x4096xf32>
    %sub3A_28 = arith.subf %get3A_6, %convert_element_type3A_27 : vector<1x4096xf32>
    %convert_element_type3A_29 = arith.truncf %sub3A_28 : vector<1x4096xf32> to vector<1x4096xbf16>
    %convert_element_type3A_30 = arith.extf %convert_element_type3A_29 : vector<1x4096xbf16> to vector<1x4096xf32>
    %convert_element_type3A_31 = arith.truncf %get3A_9 : vector<1x4096xf32> to vector<1x4096xbf16>
    %convert_element_type3A_32 = arith.extf %convert_element_type3A_31 : vector<1x4096xbf16> to vector<1x4096xf32>
    %sub3A_33 = arith.subf %get3A_9, %convert_element_type3A_32 : vector<1x4096xf32>
    %convert_element_type3A_34 = arith.truncf %sub3A_33 : vector<1x4096xf32> to vector<1x4096xbf16>
    %convert_element_type3A_35 = arith.extf %convert_element_type3A_34 : vector<1x4096xbf16> to vector<1x4096xf32>
    %convert_element_type3A_36 = arith.truncf %get3A_12 : vector<1x4096xf32> to vector<1x4096xbf16>
    %convert_element_type3A_37 = arith.extf %convert_element_type3A_36 : vector<1x4096xbf16> to vector<1x4096xf32>
    %sub3A_38 = arith.subf %get3A_12, %convert_element_type3A_37 : vector<1x4096xf32>
    %convert_element_type3A_39 = arith.truncf %sub3A_38 : vector<1x4096xf32> to vector<1x4096xbf16>
    %convert_element_type3A_40 = arith.extf %convert_element_type3A_39 : vector<1x4096xbf16> to vector<1x4096xf32>
    %mul3A = vector.broadcast %convert_element_type3A_15 : vector<256x1xf32> to vector<256x4096xf32>
    %mul3A_41 = vector.broadcast %convert_element_type3A_27 : vector<1x4096xf32> to vector<256x4096xf32>
    %mul3A_42 = arith.mulf %mul3A, %mul3A_41 : vector<256x4096xf32>
    %mul3A_43 = vector.broadcast %convert_element_type3A_20 : vector<256x1xf32> to vector<256x4096xf32>
    %mul3A_44 = vector.broadcast %convert_element_type3A_32 : vector<1x4096xf32> to vector<256x4096xf32>
    %mul3A_45 = arith.mulf %mul3A_43, %mul3A_44 : vector<256x4096xf32>
    %add3A = arith.addf %mul3A_42, %mul3A_45 : vector<256x4096xf32>
    %mul3A_46 = vector.broadcast %convert_element_type3A_25 : vector<256x1xf32> to vector<256x4096xf32>
    %mul3A_47 = vector.broadcast %convert_element_type3A_37 : vector<1x4096xf32> to vector<256x4096xf32>
    %mul3A_48 = arith.mulf %mul3A_46, %mul3A_47 : vector<256x4096xf32>
    %add3A_49 = arith.addf %add3A, %mul3A_48 : vector<256x4096xf32>
    %mul3A_50 = vector.broadcast %convert_element_type3A_13 : vector<256x1xf32> to vector<256x4096xf32>
    %mul3A_51 = vector.broadcast %convert_element_type3A_30 : vector<1x4096xf32> to vector<256x4096xf32>
    %mul3A_52 = arith.mulf %mul3A_50, %mul3A_51 : vector<256x4096xf32>
    %add3A_53 = arith.addf %add3A_49, %mul3A_52 : vector<256x4096xf32>
    %mul3A_54 = vector.broadcast %convert_element_type3A_17 : vector<256x1xf32> to vector<256x4096xf32>
    %mul3A_55 = vector.broadcast %convert_element_type3A_35 : vector<1x4096xf32> to vector<256x4096xf32>
    %mul3A_56 = arith.mulf %mul3A_54, %mul3A_55 : vector<256x4096xf32>
    %add3A_57 = arith.addf %add3A_53, %mul3A_56 : vector<256x4096xf32>
    %mul3A_58 = vector.broadcast %convert_element_type3A_22 : vector<256x1xf32> to vector<256x4096xf32>
    %mul3A_59 = vector.broadcast %convert_element_type3A_40 : vector<1x4096xf32> to vector<256x4096xf32>
    %mul3A_60 = arith.mulf %mul3A_58, %mul3A_59 : vector<256x4096xf32>
    %add3A_61 = arith.addf %add3A_57, %mul3A_60 : vector<256x4096xf32>
    %mul3A_62 = vector.broadcast %convert_element_type3A_13 : vector<256x1xf32> to vector<256x4096xf32>
    %mul3A_63 = vector.broadcast %convert_element_type3A_27 : vector<1x4096xf32> to vector<256x4096xf32>
    %mul3A_64 = arith.mulf %mul3A_62, %mul3A_63 : vector<256x4096xf32>
    %add3A_65 = arith.addf %add3A_61, %mul3A_64 : vector<256x4096xf32>
    %mul3A_66 = vector.broadcast %convert_element_type3A_17 : vector<256x1xf32> to vector<256x4096xf32>
    %mul3A_67 = vector.broadcast %convert_element_type3A_32 : vector<1x4096xf32> to vector<256x4096xf32>
    %mul3A_68 = arith.mulf %mul3A_66, %mul3A_67 : vector<256x4096xf32>
    %add3A_69 = arith.addf %add3A_65, %mul3A_68 : vector<256x4096xf32>
    %mul3A_70 = vector.broadcast %convert_element_type3A_22 : vector<256x1xf32> to vector<256x4096xf32>
    %mul3A_71 = vector.broadcast %convert_element_type3A_37 : vector<1x4096xf32> to vector<256x4096xf32>
    %mul3A_72 = arith.mulf %mul3A_70, %mul3A_71 : vector<256x4096xf32>
    %add3A_73 = arith.addf %add3A_69, %mul3A_72 : vector<256x4096xf32>
    %slice3A_74 = vector.extract_strided_slice %get3A_1 {offsets = [0, 3], sizes = [256, 1], strides = [1, 1]} : vector<256x16xf32> to vector<256x1xf32>
    %get3A_75 = arith.constant 3 : index
    %get3A_76 = arith.constant 0 : index
    %get3A_77 = vector.load %arg2[%get3A_75, %get3A_76] : memref<8x4096xf32, #tpu.memory_space<vmem>>, vector<1x4096xf32>
    %add3A_78 = vector.broadcast %slice3A_74 : vector<256x1xf32> to vector<256x4096xf32>
    %add3A_79 = vector.broadcast %get3A_77 : vector<1x4096xf32> to vector<256x4096xf32>
    %add3A_80 = arith.addf %add3A_78, %add3A_79 : vector<256x4096xf32>
    %mul3A_81 = arith.constant 2.000000e+00 : f32
    %mul3A_82 = vector.broadcast %mul3A_81 : f32 to vector<256x4096xf32>
    %mul3A_83 = arith.mulf %mul3A_82, %add3A_73 : vector<256x4096xf32>
    %sub3A_84 = arith.subf %add3A_80, %mul3A_83 : vector<256x4096xf32>
    %get3A_85 = arith.constant 0 : index
    %get3A_86 = arith.constant 0 : index
    %get3A_87 = vector.load %arg4[%get3A_85, %get3A_86] : memref<1x4096xi32, #tpu.memory_space<vmem>>, vector<1x4096xi32>
    %get3A_88 = arith.constant 0 : index
    %get3A_89 = arith.constant 0 : index
    %get3A_90 = vector.load %arg5[%get3A_88, %get3A_89] : memref<256x1xi32, #tpu.memory_space<vmem>>, vector<256x1xi32>
    %ne3A = vector.broadcast %get3A_87 : vector<1x4096xi32> to vector<256x4096xi32>
    %ne3A_91 = vector.broadcast %get3A_90 : vector<256x1xi32> to vector<256x4096xi32>
    %ne3A_92 = arith.cmpi ne, %ne3A, %ne3A_91 : vector<256x4096xi32>
    %jit3A = arith.constant 0x7F800000 : f32
    %broadcast_in_dim3A = vector.broadcast %jit3A : f32 to vector<256x4096xf32>
    %select_n3A = arith.select %ne3A_92, %broadcast_in_dim3A, %sub3A_84 : vector<256x4096xi1>, vector<256x4096xf32>
    %get3A_93 = arith.constant 0 : index
    %get3A_94 = arith.constant 0 : index
    %get3A_95 = vector.load %arg3[%get3A_93, %get3A_94] : memref<4096x16xf32, #tpu.memory_space<vmem>>, vector<4096x16xf32>
    %slice3A_96 = vector.extract_strided_slice %get3A_95 {offsets = [0, 0], sizes = [4096, 8], strides = [1, 1]} : vector<4096x16xf32> to vector<4096x8xf32>
    %get3A_97 = arith.constant 0 : index
    %get3A_98 = arith.constant 0 : index
    %get3A_99 = vector.load %arg6[%get3A_97, %get3A_98] : memref<8x32xf32, #tpu.memory_space<vmem>>, vector<8x32xf32>
    %dot_general3A = arith.constant dense<0.000000e+00> : vector<4096x32xf32>
    %dot_general3A_100 = tpu.matmul %slice3A_96, %get3A_99, %dot_general3A {dimension_numbers = #tpu.dot_dimension_numbers<[1], [0], [0], [1], [0, 0, 1, 1], [], []>, transpose_lhs_hint = false} : vector<4096x8xf32>, vector<8x32xf32>, vector<4096x32xf32> -> vector<4096x32xf32>
    %iota3A = tpu.iota {dimensions = array<i32: 1>} : vector<256x4096xi32>
    %broadcast_in_dim3A_101 = arith.constant 0xFF800000 : f32
    %broadcast_in_dim3A_102 = vector.broadcast %broadcast_in_dim3A_101 : f32 to vector<256x32xf32>
    %reduce_min3A = arith.constant dense<0x7F800000> : vector<256xf32>
    %reduce_min3A_103 = vector.multi_reduction <minimumf>, %select_n3A, %reduce_min3A [1] : vector<256x4096xf32> to vector<256xf32>
    %broadcast_in_dim3A_104 = vector.shape_cast %reduce_min3A_103 : vector<256xf32> to vector<256x1xf32>
    %eq3A = vector.broadcast %broadcast_in_dim3A_104 : vector<256x1xf32> to vector<256x4096xf32>
    %eq3A_105 = arith.cmpf oeq, %select_n3A, %eq3A : vector<256x4096xf32>
    %jit3A_106 = arith.constant 4096 : i32
    %broadcast_in_dim3A_107 = vector.broadcast %jit3A_106 : i32 to vector<256x4096xi32>
    %select_n3A_108 = arith.select %eq3A_105, %iota3A, %broadcast_in_dim3A_107 : vector<256x4096xi1>, vector<256x4096xi32>
    %reduce_min3A_109 = arith.constant dense<2147483647> : vector<256xi32>
    %reduce_min3A_110 = vector.multi_reduction <minsi>, %select_n3A_108, %reduce_min3A_109 [1] : vector<256x4096xi32> to vector<256xi32>
    %broadcast_in_dim3A_111 = vector.shape_cast %reduce_min3A_110 : vector<256xi32> to vector<256x1xi32>
    %eq3A_112 = vector.broadcast %broadcast_in_dim3A_111 : vector<256x1xi32> to vector<256x4096xi32>
    %eq3A_113 = arith.cmpi eq, %iota3A, %eq3A_112 : vector<256x4096xi32>
    %convert_element_type3A_114 = arith.extui %eq3A_113 : vector<256x4096xi1> to vector<256x4096xi32>
    %convert_element_type3A_115 = arith.sitofp %convert_element_type3A_114 : vector<256x4096xi32> to vector<256x4096xf32>
    %dot_general3A_116 = arith.constant dense<0.000000e+00> : vector<256x32xf32>
    %dot_general3A_117 = tpu.matmul %convert_element_type3A_115, %dot_general3A_100, %dot_general3A_116 {dimension_numbers = #tpu.dot_dimension_numbers<[1], [0], [0], [1], [0, 0, 1, 1], [], []>, transpose_lhs_hint = false} : vector<256x4096xf32>, vector<4096x32xf32>, vector<256x32xf32> -> vector<256x32xf32>
    %max3A = arith.maximumf %broadcast_in_dim3A_102, %dot_general3A_117 : vector<256x32xf32>
    %jit3A_118 = arith.constant 0x7F800000 : f32
    %broadcast_in_dim3A_119 = vector.broadcast %jit3A_118 : f32 to vector<256x4096xf32>
    %select_n3A_120 = arith.select %eq3A_113, %broadcast_in_dim3A_119, %select_n3A : vector<256x4096xi1>, vector<256x4096xf32>
    %reduce_min3A_121 = arith.constant dense<0x7F800000> : vector<256xf32>
    %reduce_min3A_122 = vector.multi_reduction <minimumf>, %select_n3A_120, %reduce_min3A_121 [1] : vector<256x4096xf32> to vector<256xf32>
    %broadcast_in_dim3A_123 = vector.shape_cast %reduce_min3A_122 : vector<256xf32> to vector<256x1xf32>
    %eq3A_124 = vector.broadcast %broadcast_in_dim3A_123 : vector<256x1xf32> to vector<256x4096xf32>
    %eq3A_125 = arith.cmpf oeq, %select_n3A_120, %eq3A_124 : vector<256x4096xf32>
    %jit3A_126 = arith.constant 4096 : i32
    %broadcast_in_dim3A_127 = vector.broadcast %jit3A_126 : i32 to vector<256x4096xi32>
    %select_n3A_128 = arith.select %eq3A_125, %iota3A, %broadcast_in_dim3A_127 : vector<256x4096xi1>, vector<256x4096xi32>
    %reduce_min3A_129 = arith.constant dense<2147483647> : vector<256xi32>
    %reduce_min3A_130 = vector.multi_reduction <minsi>, %select_n3A_128, %reduce_min3A_129 [1] : vector<256x4096xi32> to vector<256xi32>
    %broadcast_in_dim3A_131 = vector.shape_cast %reduce_min3A_130 : vector<256xi32> to vector<256x1xi32>
    %eq3A_132 = vector.broadcast %broadcast_in_dim3A_131 : vector<256x1xi32> to vector<256x4096xi32>
    %eq3A_133 = arith.cmpi eq, %iota3A, %eq3A_132 : vector<256x4096xi32>
    %convert_element_type3A_134 = arith.extui %eq3A_133 : vector<256x4096xi1> to vector<256x4096xi32>
    %convert_element_type3A_135 = arith.sitofp %convert_element_type3A_134 : vector<256x4096xi32> to vector<256x4096xf32>
    %dot_general3A_136 = arith.constant dense<0.000000e+00> : vector<256x32xf32>
    %dot_general3A_137 = tpu.matmul %convert_element_type3A_135, %dot_general3A_100, %dot_general3A_136 {dimension_numbers = #tpu.dot_dimension_numbers<[1], [0], [0], [1], [0, 0, 1, 1], [], []>, transpose_lhs_hint = false} : vector<256x4096xf32>, vector<4096x32xf32>, vector<256x32xf32> -> vector<256x32xf32>
    %max3A_138 = arith.maximumf %max3A, %dot_general3A_137 : vector<256x32xf32>
    %jit3A_139 = arith.constant 0x7F800000 : f32
    %broadcast_in_dim3A_140 = vector.broadcast %jit3A_139 : f32 to vector<256x4096xf32>
    %select_n3A_141 = arith.select %eq3A_133, %broadcast_in_dim3A_140, %select_n3A_120 : vector<256x4096xi1>, vector<256x4096xf32>
    %reduce_min3A_142 = arith.constant dense<0x7F800000> : vector<256xf32>
    %reduce_min3A_143 = vector.multi_reduction <minimumf>, %select_n3A_141, %reduce_min3A_142 [1] : vector<256x4096xf32> to vector<256xf32>
    %broadcast_in_dim3A_144 = vector.shape_cast %reduce_min3A_143 : vector<256xf32> to vector<256x1xf32>
    %eq3A_145 = vector.broadcast %broadcast_in_dim3A_144 : vector<256x1xf32> to vector<256x4096xf32>
    %eq3A_146 = arith.cmpf oeq, %select_n3A_141, %eq3A_145 : vector<256x4096xf32>
    %jit3A_147 = arith.constant 4096 : i32
    %broadcast_in_dim3A_148 = vector.broadcast %jit3A_147 : i32 to vector<256x4096xi32>
    %select_n3A_149 = arith.select %eq3A_146, %iota3A, %broadcast_in_dim3A_148 : vector<256x4096xi1>, vector<256x4096xi32>
    %reduce_min3A_150 = arith.constant dense<2147483647> : vector<256xi32>
    %reduce_min3A_151 = vector.multi_reduction <minsi>, %select_n3A_149, %reduce_min3A_150 [1] : vector<256x4096xi32> to vector<256xi32>
    %broadcast_in_dim3A_152 = vector.shape_cast %reduce_min3A_151 : vector<256xi32> to vector<256x1xi32>
    %eq3A_153 = vector.broadcast %broadcast_in_dim3A_152 : vector<256x1xi32> to vector<256x4096xi32>
    %eq3A_154 = arith.cmpi eq, %iota3A, %eq3A_153 : vector<256x4096xi32>
    %convert_element_type3A_155 = arith.extui %eq3A_154 : vector<256x4096xi1> to vector<256x4096xi32>
    %convert_element_type3A_156 = arith.sitofp %convert_element_type3A_155 : vector<256x4096xi32> to vector<256x4096xf32>
    %dot_general3A_157 = arith.constant dense<0.000000e+00> : vector<256x32xf32>
    %dot_general3A_158 = tpu.matmul %convert_element_type3A_156, %dot_general3A_100, %dot_general3A_157 {dimension_numbers = #tpu.dot_dimension_numbers<[1], [0], [0], [1], [0, 0, 1, 1], [], []>, transpose_lhs_hint = false} : vector<256x4096xf32>, vector<4096x32xf32>, vector<256x32xf32> -> vector<256x32xf32>
    %max3A_159 = arith.maximumf %max3A_138, %dot_general3A_158 : vector<256x32xf32>
    %jit3A_160 = arith.constant 0x7F800000 : f32
    %broadcast_in_dim3A_161 = vector.broadcast %jit3A_160 : f32 to vector<256x4096xf32>
    %select_n3A_162 = arith.select %eq3A_154, %broadcast_in_dim3A_161, %select_n3A_141 : vector<256x4096xi1>, vector<256x4096xf32>
    %reduce_min3A_163 = arith.constant dense<0x7F800000> : vector<256xf32>
    %reduce_min3A_164 = vector.multi_reduction <minimumf>, %select_n3A_162, %reduce_min3A_163 [1] : vector<256x4096xf32> to vector<256xf32>
    %broadcast_in_dim3A_165 = vector.shape_cast %reduce_min3A_164 : vector<256xf32> to vector<256x1xf32>
    %eq3A_166 = vector.broadcast %broadcast_in_dim3A_165 : vector<256x1xf32> to vector<256x4096xf32>
    %eq3A_167 = arith.cmpf oeq, %select_n3A_162, %eq3A_166 : vector<256x4096xf32>
    %jit3A_168 = arith.constant 4096 : i32
    %broadcast_in_dim3A_169 = vector.broadcast %jit3A_168 : i32 to vector<256x4096xi32>
    %select_n3A_170 = arith.select %eq3A_167, %iota3A, %broadcast_in_dim3A_169 : vector<256x4096xi1>, vector<256x4096xi32>
    %reduce_min3A_171 = arith.constant dense<2147483647> : vector<256xi32>
    %reduce_min3A_172 = vector.multi_reduction <minsi>, %select_n3A_170, %reduce_min3A_171 [1] : vector<256x4096xi32> to vector<256xi32>
    %broadcast_in_dim3A_173 = vector.shape_cast %reduce_min3A_172 : vector<256xi32> to vector<256x1xi32>
    %eq3A_174 = vector.broadcast %broadcast_in_dim3A_173 : vector<256x1xi32> to vector<256x4096xi32>
    %eq3A_175 = arith.cmpi eq, %iota3A, %eq3A_174 : vector<256x4096xi32>
    %convert_element_type3A_176 = arith.extui %eq3A_175 : vector<256x4096xi1> to vector<256x4096xi32>
    %convert_element_type3A_177 = arith.sitofp %convert_element_type3A_176 : vector<256x4096xi32> to vector<256x4096xf32>
    %dot_general3A_178 = arith.constant dense<0.000000e+00> : vector<256x32xf32>
    %dot_general3A_179 = tpu.matmul %convert_element_type3A_177, %dot_general3A_100, %dot_general3A_178 {dimension_numbers = #tpu.dot_dimension_numbers<[1], [0], [0], [1], [0, 0, 1, 1], [], []>, transpose_lhs_hint = false} : vector<256x4096xf32>, vector<4096x32xf32>, vector<256x32xf32> -> vector<256x32xf32>
    %max3A_180 = arith.maximumf %max3A_159, %dot_general3A_179 : vector<256x32xf32>
    %jit3A_181 = arith.constant 0x7F800000 : f32
    %broadcast_in_dim3A_182 = vector.broadcast %jit3A_181 : f32 to vector<256x4096xf32>
    %select_n3A_183 = arith.select %eq3A_175, %broadcast_in_dim3A_182, %select_n3A_162 : vector<256x4096xi1>, vector<256x4096xf32>
    %reduce_min3A_184 = arith.constant dense<0x7F800000> : vector<256xf32>
    %reduce_min3A_185 = vector.multi_reduction <minimumf>, %select_n3A_183, %reduce_min3A_184 [1] : vector<256x4096xf32> to vector<256xf32>
    %broadcast_in_dim3A_186 = vector.shape_cast %reduce_min3A_185 : vector<256xf32> to vector<256x1xf32>
    %eq3A_187 = vector.broadcast %broadcast_in_dim3A_186 : vector<256x1xf32> to vector<256x4096xf32>
    %eq3A_188 = arith.cmpf oeq, %select_n3A_183, %eq3A_187 : vector<256x4096xf32>
    %jit3A_189 = arith.constant 4096 : i32
    %broadcast_in_dim3A_190 = vector.broadcast %jit3A_189 : i32 to vector<256x4096xi32>
    %select_n3A_191 = arith.select %eq3A_188, %iota3A, %broadcast_in_dim3A_190 : vector<256x4096xi1>, vector<256x4096xi32>
    %reduce_min3A_192 = arith.constant dense<2147483647> : vector<256xi32>
    %reduce_min3A_193 = vector.multi_reduction <minsi>, %select_n3A_191, %reduce_min3A_192 [1] : vector<256x4096xi32> to vector<256xi32>
    %broadcast_in_dim3A_194 = vector.shape_cast %reduce_min3A_193 : vector<256xi32> to vector<256x1xi32>
    %eq3A_195 = vector.broadcast %broadcast_in_dim3A_194 : vector<256x1xi32> to vector<256x4096xi32>
    %eq3A_196 = arith.cmpi eq, %iota3A, %eq3A_195 : vector<256x4096xi32>
    %convert_element_type3A_197 = arith.extui %eq3A_196 : vector<256x4096xi1> to vector<256x4096xi32>
    %convert_element_type3A_198 = arith.sitofp %convert_element_type3A_197 : vector<256x4096xi32> to vector<256x4096xf32>
    %dot_general3A_199 = arith.constant dense<0.000000e+00> : vector<256x32xf32>
    %dot_general3A_200 = tpu.matmul %convert_element_type3A_198, %dot_general3A_100, %dot_general3A_199 {dimension_numbers = #tpu.dot_dimension_numbers<[1], [0], [0], [1], [0, 0, 1, 1], [], []>, transpose_lhs_hint = false} : vector<256x4096xf32>, vector<4096x32xf32>, vector<256x32xf32> -> vector<256x32xf32>
    %max3A_201 = arith.maximumf %max3A_180, %dot_general3A_200 : vector<256x32xf32>
    %jit3A_202 = arith.constant 0x7F800000 : f32
    %broadcast_in_dim3A_203 = vector.broadcast %jit3A_202 : f32 to vector<256x4096xf32>
    %select_n3A_204 = arith.select %eq3A_196, %broadcast_in_dim3A_203, %select_n3A_183 : vector<256x4096xi1>, vector<256x4096xf32>
    %reduce_min3A_205 = arith.constant dense<0x7F800000> : vector<256xf32>
    %reduce_min3A_206 = vector.multi_reduction <minimumf>, %select_n3A_204, %reduce_min3A_205 [1] : vector<256x4096xf32> to vector<256xf32>
    %broadcast_in_dim3A_207 = vector.shape_cast %reduce_min3A_206 : vector<256xf32> to vector<256x1xf32>
    %eq3A_208 = vector.broadcast %broadcast_in_dim3A_207 : vector<256x1xf32> to vector<256x4096xf32>
    %eq3A_209 = arith.cmpf oeq, %select_n3A_204, %eq3A_208 : vector<256x4096xf32>
    %jit3A_210 = arith.constant 4096 : i32
    %broadcast_in_dim3A_211 = vector.broadcast %jit3A_210 : i32 to vector<256x4096xi32>
    %select_n3A_212 = arith.select %eq3A_209, %iota3A, %broadcast_in_dim3A_211 : vector<256x4096xi1>, vector<256x4096xi32>
    %reduce_min3A_213 = arith.constant dense<2147483647> : vector<256xi32>
    %reduce_min3A_214 = vector.multi_reduction <minsi>, %select_n3A_212, %reduce_min3A_213 [1] : vector<256x4096xi32> to vector<256xi32>
    %broadcast_in_dim3A_215 = vector.shape_cast %reduce_min3A_214 : vector<256xi32> to vector<256x1xi32>
    %eq3A_216 = vector.broadcast %broadcast_in_dim3A_215 : vector<256x1xi32> to vector<256x4096xi32>
    %eq3A_217 = arith.cmpi eq, %iota3A, %eq3A_216 : vector<256x4096xi32>
    %convert_element_type3A_218 = arith.extui %eq3A_217 : vector<256x4096xi1> to vector<256x4096xi32>
    %convert_element_type3A_219 = arith.sitofp %convert_element_type3A_218 : vector<256x4096xi32> to vector<256x4096xf32>
    %dot_general3A_220 = arith.constant dense<0.000000e+00> : vector<256x32xf32>
    %dot_general3A_221 = tpu.matmul %convert_element_type3A_219, %dot_general3A_100, %dot_general3A_220 {dimension_numbers = #tpu.dot_dimension_numbers<[1], [0], [0], [1], [0, 0, 1, 1], [], []>, transpose_lhs_hint = false} : vector<256x4096xf32>, vector<4096x32xf32>, vector<256x32xf32> -> vector<256x32xf32>
    %max3A_222 = arith.maximumf %max3A_201, %dot_general3A_221 : vector<256x32xf32>
    %jit3A_223 = arith.constant 0x7F800000 : f32
    %broadcast_in_dim3A_224 = vector.broadcast %jit3A_223 : f32 to vector<256x4096xf32>
    %select_n3A_225 = arith.select %eq3A_217, %broadcast_in_dim3A_224, %select_n3A_204 : vector<256x4096xi1>, vector<256x4096xf32>
    %reduce_min3A_226 = arith.constant dense<0x7F800000> : vector<256xf32>
    %reduce_min3A_227 = vector.multi_reduction <minimumf>, %select_n3A_225, %reduce_min3A_226 [1] : vector<256x4096xf32> to vector<256xf32>
    %broadcast_in_dim3A_228 = vector.shape_cast %reduce_min3A_227 : vector<256xf32> to vector<256x1xf32>
    %eq3A_229 = vector.broadcast %broadcast_in_dim3A_228 : vector<256x1xf32> to vector<256x4096xf32>
    %eq3A_230 = arith.cmpf oeq, %select_n3A_225, %eq3A_229 : vector<256x4096xf32>
    %jit3A_231 = arith.constant 4096 : i32
    %broadcast_in_dim3A_232 = vector.broadcast %jit3A_231 : i32 to vector<256x4096xi32>
    %select_n3A_233 = arith.select %eq3A_230, %iota3A, %broadcast_in_dim3A_232 : vector<256x4096xi1>, vector<256x4096xi32>
    %reduce_min3A_234 = arith.constant dense<2147483647> : vector<256xi32>
    %reduce_min3A_235 = vector.multi_reduction <minsi>, %select_n3A_233, %reduce_min3A_234 [1] : vector<256x4096xi32> to vector<256xi32>
    %broadcast_in_dim3A_236 = vector.shape_cast %reduce_min3A_235 : vector<256xi32> to vector<256x1xi32>
    %eq3A_237 = vector.broadcast %broadcast_in_dim3A_236 : vector<256x1xi32> to vector<256x4096xi32>
    %eq3A_238 = arith.cmpi eq, %iota3A, %eq3A_237 : vector<256x4096xi32>
    %convert_element_type3A_239 = arith.extui %eq3A_238 : vector<256x4096xi1> to vector<256x4096xi32>
    %convert_element_type3A_240 = arith.sitofp %convert_element_type3A_239 : vector<256x4096xi32> to vector<256x4096xf32>
    %dot_general3A_241 = arith.constant dense<0.000000e+00> : vector<256x32xf32>
    %dot_general3A_242 = tpu.matmul %convert_element_type3A_240, %dot_general3A_100, %dot_general3A_241 {dimension_numbers = #tpu.dot_dimension_numbers<[1], [0], [0], [1], [0, 0, 1, 1], [], []>, transpose_lhs_hint = false} : vector<256x4096xf32>, vector<4096x32xf32>, vector<256x32xf32> -> vector<256x32xf32>
    %max3A_243 = arith.maximumf %max3A_222, %dot_general3A_242 : vector<256x32xf32>
    %jit3A_244 = arith.constant 0x7F800000 : f32
    %broadcast_in_dim3A_245 = vector.broadcast %jit3A_244 : f32 to vector<256x4096xf32>
    %select_n3A_246 = arith.select %eq3A_238, %broadcast_in_dim3A_245, %select_n3A_225 : vector<256x4096xi1>, vector<256x4096xf32>
    %reduce_min3A_247 = arith.constant dense<0x7F800000> : vector<256xf32>
    %reduce_min3A_248 = vector.multi_reduction <minimumf>, %select_n3A_246, %reduce_min3A_247 [1] : vector<256x4096xf32> to vector<256xf32>
    %broadcast_in_dim3A_249 = vector.shape_cast %reduce_min3A_248 : vector<256xf32> to vector<256x1xf32>
    %eq3A_250 = vector.broadcast %broadcast_in_dim3A_249 : vector<256x1xf32> to vector<256x4096xf32>
    %eq3A_251 = arith.cmpf oeq, %select_n3A_246, %eq3A_250 : vector<256x4096xf32>
    %jit3A_252 = arith.constant 4096 : i32
    %broadcast_in_dim3A_253 = vector.broadcast %jit3A_252 : i32 to vector<256x4096xi32>
    %select_n3A_254 = arith.select %eq3A_251, %iota3A, %broadcast_in_dim3A_253 : vector<256x4096xi1>, vector<256x4096xi32>
    %reduce_min3A_255 = arith.constant dense<2147483647> : vector<256xi32>
    %reduce_min3A_256 = vector.multi_reduction <minsi>, %select_n3A_254, %reduce_min3A_255 [1] : vector<256x4096xi32> to vector<256xi32>
    %broadcast_in_dim3A_257 = vector.shape_cast %reduce_min3A_256 : vector<256xi32> to vector<256x1xi32>
    %eq3A_258 = vector.broadcast %broadcast_in_dim3A_257 : vector<256x1xi32> to vector<256x4096xi32>
    %eq3A_259 = arith.cmpi eq, %iota3A, %eq3A_258 : vector<256x4096xi32>
    %convert_element_type3A_260 = arith.extui %eq3A_259 : vector<256x4096xi1> to vector<256x4096xi32>
    %convert_element_type3A_261 = arith.sitofp %convert_element_type3A_260 : vector<256x4096xi32> to vector<256x4096xf32>
    %dot_general3A_262 = arith.constant dense<0.000000e+00> : vector<256x32xf32>
    %dot_general3A_263 = tpu.matmul %convert_element_type3A_261, %dot_general3A_100, %dot_general3A_262 {dimension_numbers = #tpu.dot_dimension_numbers<[1], [0], [0], [1], [0, 0, 1, 1], [], []>, transpose_lhs_hint = false} : vector<256x4096xf32>, vector<4096x32xf32>, vector<256x32xf32> -> vector<256x32xf32>
    %max3A_264 = arith.maximumf %max3A_243, %dot_general3A_263 : vector<256x32xf32>
    %jit3A_265 = arith.constant 0x7F800000 : f32
    %broadcast_in_dim3A_266 = vector.broadcast %jit3A_265 : f32 to vector<256x4096xf32>
    %select_n3A_267 = arith.select %eq3A_259, %broadcast_in_dim3A_266, %select_n3A_246 : vector<256x4096xi1>, vector<256x4096xf32>
    %reduce_min3A_268 = arith.constant dense<0x7F800000> : vector<256xf32>
    %reduce_min3A_269 = vector.multi_reduction <minimumf>, %select_n3A_267, %reduce_min3A_268 [1] : vector<256x4096xf32> to vector<256xf32>
    %broadcast_in_dim3A_270 = vector.shape_cast %reduce_min3A_269 : vector<256xf32> to vector<256x1xf32>
    %eq3A_271 = vector.broadcast %broadcast_in_dim3A_270 : vector<256x1xf32> to vector<256x4096xf32>
    %eq3A_272 = arith.cmpf oeq, %select_n3A_267, %eq3A_271 : vector<256x4096xf32>
    %jit3A_273 = arith.constant 4096 : i32
    %broadcast_in_dim3A_274 = vector.broadcast %jit3A_273 : i32 to vector<256x4096xi32>
    %select_n3A_275 = arith.select %eq3A_272, %iota3A, %broadcast_in_dim3A_274 : vector<256x4096xi1>, vector<256x4096xi32>
    %reduce_min3A_276 = arith.constant dense<2147483647> : vector<256xi32>
    %reduce_min3A_277 = vector.multi_reduction <minsi>, %select_n3A_275, %reduce_min3A_276 [1] : vector<256x4096xi32> to vector<256xi32>
    %broadcast_in_dim3A_278 = vector.shape_cast %reduce_min3A_277 : vector<256xi32> to vector<256x1xi32>
    %eq3A_279 = vector.broadcast %broadcast_in_dim3A_278 : vector<256x1xi32> to vector<256x4096xi32>
    %eq3A_280 = arith.cmpi eq, %iota3A, %eq3A_279 : vector<256x4096xi32>
    %convert_element_type3A_281 = arith.extui %eq3A_280 : vector<256x4096xi1> to vector<256x4096xi32>
    %convert_element_type3A_282 = arith.sitofp %convert_element_type3A_281 : vector<256x4096xi32> to vector<256x4096xf32>
    %dot_general3A_283 = arith.constant dense<0.000000e+00> : vector<256x32xf32>
    %dot_general3A_284 = tpu.matmul %convert_element_type3A_282, %dot_general3A_100, %dot_general3A_283 {dimension_numbers = #tpu.dot_dimension_numbers<[1], [0], [0], [1], [0, 0, 1, 1], [], []>, transpose_lhs_hint = false} : vector<256x4096xf32>, vector<4096x32xf32>, vector<256x32xf32> -> vector<256x32xf32>
    %max3A_285 = arith.maximumf %max3A_264, %dot_general3A_284 : vector<256x32xf32>
    %jit3A_286 = arith.constant 0x7F800000 : f32
    %broadcast_in_dim3A_287 = vector.broadcast %jit3A_286 : f32 to vector<256x4096xf32>
    %select_n3A_288 = arith.select %eq3A_280, %broadcast_in_dim3A_287, %select_n3A_267 : vector<256x4096xi1>, vector<256x4096xf32>
    %reduce_min3A_289 = arith.constant dense<0x7F800000> : vector<256xf32>
    %reduce_min3A_290 = vector.multi_reduction <minimumf>, %select_n3A_288, %reduce_min3A_289 [1] : vector<256x4096xf32> to vector<256xf32>
    %broadcast_in_dim3A_291 = vector.shape_cast %reduce_min3A_290 : vector<256xf32> to vector<256x1xf32>
    %eq3A_292 = vector.broadcast %broadcast_in_dim3A_291 : vector<256x1xf32> to vector<256x4096xf32>
    %eq3A_293 = arith.cmpf oeq, %select_n3A_288, %eq3A_292 : vector<256x4096xf32>
    %jit3A_294 = arith.constant 4096 : i32
    %broadcast_in_dim3A_295 = vector.broadcast %jit3A_294 : i32 to vector<256x4096xi32>
    %select_n3A_296 = arith.select %eq3A_293, %iota3A, %broadcast_in_dim3A_295 : vector<256x4096xi1>, vector<256x4096xi32>
    %reduce_min3A_297 = arith.constant dense<2147483647> : vector<256xi32>
    %reduce_min3A_298 = vector.multi_reduction <minsi>, %select_n3A_296, %reduce_min3A_297 [1] : vector<256x4096xi32> to vector<256xi32>
    %broadcast_in_dim3A_299 = vector.shape_cast %reduce_min3A_298 : vector<256xi32> to vector<256x1xi32>
    %eq3A_300 = vector.broadcast %broadcast_in_dim3A_299 : vector<256x1xi32> to vector<256x4096xi32>
    %eq3A_301 = arith.cmpi eq, %iota3A, %eq3A_300 : vector<256x4096xi32>
    %convert_element_type3A_302 = arith.extui %eq3A_301 : vector<256x4096xi1> to vector<256x4096xi32>
    %convert_element_type3A_303 = arith.sitofp %convert_element_type3A_302 : vector<256x4096xi32> to vector<256x4096xf32>
    %dot_general3A_304 = arith.constant dense<0.000000e+00> : vector<256x32xf32>
    %dot_general3A_305 = tpu.matmul %convert_element_type3A_303, %dot_general3A_100, %dot_general3A_304 {dimension_numbers = #tpu.dot_dimension_numbers<[1], [0], [0], [1], [0, 0, 1, 1], [], []>, transpose_lhs_hint = false} : vector<256x4096xf32>, vector<4096x32xf32>, vector<256x32xf32> -> vector<256x32xf32>
    %max3A_306 = arith.maximumf %max3A_285, %dot_general3A_305 : vector<256x32xf32>
    %jit3A_307 = arith.constant 0x7F800000 : f32
    %broadcast_in_dim3A_308 = vector.broadcast %jit3A_307 : f32 to vector<256x4096xf32>
    %select_n3A_309 = arith.select %eq3A_301, %broadcast_in_dim3A_308, %select_n3A_288 : vector<256x4096xi1>, vector<256x4096xf32>
    %reduce_min3A_310 = arith.constant dense<0x7F800000> : vector<256xf32>
    %reduce_min3A_311 = vector.multi_reduction <minimumf>, %select_n3A_309, %reduce_min3A_310 [1] : vector<256x4096xf32> to vector<256xf32>
    %broadcast_in_dim3A_312 = vector.shape_cast %reduce_min3A_311 : vector<256xf32> to vector<256x1xf32>
    %eq3A_313 = vector.broadcast %broadcast_in_dim3A_312 : vector<256x1xf32> to vector<256x4096xf32>
    %eq3A_314 = arith.cmpf oeq, %select_n3A_309, %eq3A_313 : vector<256x4096xf32>
    %jit3A_315 = arith.constant 4096 : i32
    %broadcast_in_dim3A_316 = vector.broadcast %jit3A_315 : i32 to vector<256x4096xi32>
    %select_n3A_317 = arith.select %eq3A_314, %iota3A, %broadcast_in_dim3A_316 : vector<256x4096xi1>, vector<256x4096xi32>
    %reduce_min3A_318 = arith.constant dense<2147483647> : vector<256xi32>
    %reduce_min3A_319 = vector.multi_reduction <minsi>, %select_n3A_317, %reduce_min3A_318 [1] : vector<256x4096xi32> to vector<256xi32>
    %broadcast_in_dim3A_320 = vector.shape_cast %reduce_min3A_319 : vector<256xi32> to vector<256x1xi32>
    %eq3A_321 = vector.broadcast %broadcast_in_dim3A_320 : vector<256x1xi32> to vector<256x4096xi32>
    %eq3A_322 = arith.cmpi eq, %iota3A, %eq3A_321 : vector<256x4096xi32>
    %convert_element_type3A_323 = arith.extui %eq3A_322 : vector<256x4096xi1> to vector<256x4096xi32>
    %convert_element_type3A_324 = arith.sitofp %convert_element_type3A_323 : vector<256x4096xi32> to vector<256x4096xf32>
    %dot_general3A_325 = arith.constant dense<0.000000e+00> : vector<256x32xf32>
    %dot_general3A_326 = tpu.matmul %convert_element_type3A_324, %dot_general3A_100, %dot_general3A_325 {dimension_numbers = #tpu.dot_dimension_numbers<[1], [0], [0], [1], [0, 0, 1, 1], [], []>, transpose_lhs_hint = false} : vector<256x4096xf32>, vector<4096x32xf32>, vector<256x32xf32> -> vector<256x32xf32>
    %max3A_327 = arith.maximumf %max3A_306, %dot_general3A_326 : vector<256x32xf32>
    %jit3A_328 = arith.constant 0x7F800000 : f32
    %broadcast_in_dim3A_329 = vector.broadcast %jit3A_328 : f32 to vector<256x4096xf32>
    %select_n3A_330 = arith.select %eq3A_322, %broadcast_in_dim3A_329, %select_n3A_309 : vector<256x4096xi1>, vector<256x4096xf32>
    %reduce_min3A_331 = arith.constant dense<0x7F800000> : vector<256xf32>
    %reduce_min3A_332 = vector.multi_reduction <minimumf>, %select_n3A_330, %reduce_min3A_331 [1] : vector<256x4096xf32> to vector<256xf32>
    %broadcast_in_dim3A_333 = vector.shape_cast %reduce_min3A_332 : vector<256xf32> to vector<256x1xf32>
    %eq3A_334 = vector.broadcast %broadcast_in_dim3A_333 : vector<256x1xf32> to vector<256x4096xf32>
    %eq3A_335 = arith.cmpf oeq, %select_n3A_330, %eq3A_334 : vector<256x4096xf32>
    %jit3A_336 = arith.constant 4096 : i32
    %broadcast_in_dim3A_337 = vector.broadcast %jit3A_336 : i32 to vector<256x4096xi32>
    %select_n3A_338 = arith.select %eq3A_335, %iota3A, %broadcast_in_dim3A_337 : vector<256x4096xi1>, vector<256x4096xi32>
    %reduce_min3A_339 = arith.constant dense<2147483647> : vector<256xi32>
    %reduce_min3A_340 = vector.multi_reduction <minsi>, %select_n3A_338, %reduce_min3A_339 [1] : vector<256x4096xi32> to vector<256xi32>
    %broadcast_in_dim3A_341 = vector.shape_cast %reduce_min3A_340 : vector<256xi32> to vector<256x1xi32>
    %eq3A_342 = vector.broadcast %broadcast_in_dim3A_341 : vector<256x1xi32> to vector<256x4096xi32>
    %eq3A_343 = arith.cmpi eq, %iota3A, %eq3A_342 : vector<256x4096xi32>
    %convert_element_type3A_344 = arith.extui %eq3A_343 : vector<256x4096xi1> to vector<256x4096xi32>
    %convert_element_type3A_345 = arith.sitofp %convert_element_type3A_344 : vector<256x4096xi32> to vector<256x4096xf32>
    %dot_general3A_346 = arith.constant dense<0.000000e+00> : vector<256x32xf32>
    %dot_general3A_347 = tpu.matmul %convert_element_type3A_345, %dot_general3A_100, %dot_general3A_346 {dimension_numbers = #tpu.dot_dimension_numbers<[1], [0], [0], [1], [0, 0, 1, 1], [], []>, transpose_lhs_hint = false} : vector<256x4096xf32>, vector<4096x32xf32>, vector<256x32xf32> -> vector<256x32xf32>
    %max3A_348 = arith.maximumf %max3A_327, %dot_general3A_347 : vector<256x32xf32>
    %jit3A_349 = arith.constant 0x7F800000 : f32
    %broadcast_in_dim3A_350 = vector.broadcast %jit3A_349 : f32 to vector<256x4096xf32>
    %select_n3A_351 = arith.select %eq3A_343, %broadcast_in_dim3A_350, %select_n3A_330 : vector<256x4096xi1>, vector<256x4096xf32>
    %reduce_min3A_352 = arith.constant dense<0x7F800000> : vector<256xf32>
    %reduce_min3A_353 = vector.multi_reduction <minimumf>, %select_n3A_351, %reduce_min3A_352 [1] : vector<256x4096xf32> to vector<256xf32>
    %broadcast_in_dim3A_354 = vector.shape_cast %reduce_min3A_353 : vector<256xf32> to vector<256x1xf32>
    %eq3A_355 = vector.broadcast %broadcast_in_dim3A_354 : vector<256x1xf32> to vector<256x4096xf32>
    %eq3A_356 = arith.cmpf oeq, %select_n3A_351, %eq3A_355 : vector<256x4096xf32>
    %jit3A_357 = arith.constant 4096 : i32
    %broadcast_in_dim3A_358 = vector.broadcast %jit3A_357 : i32 to vector<256x4096xi32>
    %select_n3A_359 = arith.select %eq3A_356, %iota3A, %broadcast_in_dim3A_358 : vector<256x4096xi1>, vector<256x4096xi32>
    %reduce_min3A_360 = arith.constant dense<2147483647> : vector<256xi32>
    %reduce_min3A_361 = vector.multi_reduction <minsi>, %select_n3A_359, %reduce_min3A_360 [1] : vector<256x4096xi32> to vector<256xi32>
    %broadcast_in_dim3A_362 = vector.shape_cast %reduce_min3A_361 : vector<256xi32> to vector<256x1xi32>
    %eq3A_363 = vector.broadcast %broadcast_in_dim3A_362 : vector<256x1xi32> to vector<256x4096xi32>
    %eq3A_364 = arith.cmpi eq, %iota3A, %eq3A_363 : vector<256x4096xi32>
    %convert_element_type3A_365 = arith.extui %eq3A_364 : vector<256x4096xi1> to vector<256x4096xi32>
    %convert_element_type3A_366 = arith.sitofp %convert_element_type3A_365 : vector<256x4096xi32> to vector<256x4096xf32>
    %dot_general3A_367 = arith.constant dense<0.000000e+00> : vector<256x32xf32>
    %dot_general3A_368 = tpu.matmul %convert_element_type3A_366, %dot_general3A_100, %dot_general3A_367 {dimension_numbers = #tpu.dot_dimension_numbers<[1], [0], [0], [1], [0, 0, 1, 1], [], []>, transpose_lhs_hint = false} : vector<256x4096xf32>, vector<4096x32xf32>, vector<256x32xf32> -> vector<256x32xf32>
    %max3A_369 = arith.maximumf %max3A_348, %dot_general3A_368 : vector<256x32xf32>
    %jit3A_370 = arith.constant 0x7F800000 : f32
    %broadcast_in_dim3A_371 = vector.broadcast %jit3A_370 : f32 to vector<256x4096xf32>
    %select_n3A_372 = arith.select %eq3A_364, %broadcast_in_dim3A_371, %select_n3A_351 : vector<256x4096xi1>, vector<256x4096xf32>
    %reduce_min3A_373 = arith.constant dense<0x7F800000> : vector<256xf32>
    %reduce_min3A_374 = vector.multi_reduction <minimumf>, %select_n3A_372, %reduce_min3A_373 [1] : vector<256x4096xf32> to vector<256xf32>
    %broadcast_in_dim3A_375 = vector.shape_cast %reduce_min3A_374 : vector<256xf32> to vector<256x1xf32>
    %eq3A_376 = vector.broadcast %broadcast_in_dim3A_375 : vector<256x1xf32> to vector<256x4096xf32>
    %eq3A_377 = arith.cmpf oeq, %select_n3A_372, %eq3A_376 : vector<256x4096xf32>
    %jit3A_378 = arith.constant 4096 : i32
    %broadcast_in_dim3A_379 = vector.broadcast %jit3A_378 : i32 to vector<256x4096xi32>
    %select_n3A_380 = arith.select %eq3A_377, %iota3A, %broadcast_in_dim3A_379 : vector<256x4096xi1>, vector<256x4096xi32>
    %reduce_min3A_381 = arith.constant dense<2147483647> : vector<256xi32>
    %reduce_min3A_382 = vector.multi_reduction <minsi>, %select_n3A_380, %reduce_min3A_381 [1] : vector<256x4096xi32> to vector<256xi32>
    %broadcast_in_dim3A_383 = vector.shape_cast %reduce_min3A_382 : vector<256xi32> to vector<256x1xi32>
    %eq3A_384 = vector.broadcast %broadcast_in_dim3A_383 : vector<256x1xi32> to vector<256x4096xi32>
    %eq3A_385 = arith.cmpi eq, %iota3A, %eq3A_384 : vector<256x4096xi32>
    %convert_element_type3A_386 = arith.extui %eq3A_385 : vector<256x4096xi1> to vector<256x4096xi32>
    %convert_element_type3A_387 = arith.sitofp %convert_element_type3A_386 : vector<256x4096xi32> to vector<256x4096xf32>
    %dot_general3A_388 = arith.constant dense<0.000000e+00> : vector<256x32xf32>
    %dot_general3A_389 = tpu.matmul %convert_element_type3A_387, %dot_general3A_100, %dot_general3A_388 {dimension_numbers = #tpu.dot_dimension_numbers<[1], [0], [0], [1], [0, 0, 1, 1], [], []>, transpose_lhs_hint = false} : vector<256x4096xf32>, vector<4096x32xf32>, vector<256x32xf32> -> vector<256x32xf32>
    %max3A_390 = arith.maximumf %max3A_369, %dot_general3A_389 : vector<256x32xf32>
    %jit3A_391 = arith.constant 0x7F800000 : f32
    %broadcast_in_dim3A_392 = vector.broadcast %jit3A_391 : f32 to vector<256x4096xf32>
    %select_n3A_393 = arith.select %eq3A_385, %broadcast_in_dim3A_392, %select_n3A_372 : vector<256x4096xi1>, vector<256x4096xf32>
    %reduce_min3A_394 = arith.constant dense<0x7F800000> : vector<256xf32>
    %reduce_min3A_395 = vector.multi_reduction <minimumf>, %select_n3A_393, %reduce_min3A_394 [1] : vector<256x4096xf32> to vector<256xf32>
    %broadcast_in_dim3A_396 = vector.shape_cast %reduce_min3A_395 : vector<256xf32> to vector<256x1xf32>
    %eq3A_397 = vector.broadcast %broadcast_in_dim3A_396 : vector<256x1xf32> to vector<256x4096xf32>
    %eq3A_398 = arith.cmpf oeq, %select_n3A_393, %eq3A_397 : vector<256x4096xf32>
    %jit3A_399 = arith.constant 4096 : i32
    %broadcast_in_dim3A_400 = vector.broadcast %jit3A_399 : i32 to vector<256x4096xi32>
    %select_n3A_401 = arith.select %eq3A_398, %iota3A, %broadcast_in_dim3A_400 : vector<256x4096xi1>, vector<256x4096xi32>
    %reduce_min3A_402 = arith.constant dense<2147483647> : vector<256xi32>
    %reduce_min3A_403 = vector.multi_reduction <minsi>, %select_n3A_401, %reduce_min3A_402 [1] : vector<256x4096xi32> to vector<256xi32>
    %broadcast_in_dim3A_404 = vector.shape_cast %reduce_min3A_403 : vector<256xi32> to vector<256x1xi32>
    %eq3A_405 = vector.broadcast %broadcast_in_dim3A_404 : vector<256x1xi32> to vector<256x4096xi32>
    %eq3A_406 = arith.cmpi eq, %iota3A, %eq3A_405 : vector<256x4096xi32>
    %convert_element_type3A_407 = arith.extui %eq3A_406 : vector<256x4096xi1> to vector<256x4096xi32>
    %convert_element_type3A_408 = arith.sitofp %convert_element_type3A_407 : vector<256x4096xi32> to vector<256x4096xf32>
    %dot_general3A_409 = arith.constant dense<0.000000e+00> : vector<256x32xf32>
    %dot_general3A_410 = tpu.matmul %convert_element_type3A_408, %dot_general3A_100, %dot_general3A_409 {dimension_numbers = #tpu.dot_dimension_numbers<[1], [0], [0], [1], [0, 0, 1, 1], [], []>, transpose_lhs_hint = false} : vector<256x4096xf32>, vector<4096x32xf32>, vector<256x32xf32> -> vector<256x32xf32>
    %max3A_411 = arith.maximumf %max3A_390, %dot_general3A_410 : vector<256x32xf32>
    %jit3A_412 = arith.constant 0x7F800000 : f32
    %broadcast_in_dim3A_413 = vector.broadcast %jit3A_412 : f32 to vector<256x4096xf32>
    %select_n3A_414 = arith.select %eq3A_406, %broadcast_in_dim3A_413, %select_n3A_393 : vector<256x4096xi1>, vector<256x4096xf32>
    %reduce_min3A_415 = arith.constant dense<0x7F800000> : vector<256xf32>
    %reduce_min3A_416 = vector.multi_reduction <minimumf>, %select_n3A_414, %reduce_min3A_415 [1] : vector<256x4096xf32> to vector<256xf32>
    %broadcast_in_dim3A_417 = vector.shape_cast %reduce_min3A_416 : vector<256xf32> to vector<256x1xf32>
    %eq3A_418 = vector.broadcast %broadcast_in_dim3A_417 : vector<256x1xf32> to vector<256x4096xf32>
    %eq3A_419 = arith.cmpf oeq, %select_n3A_414, %eq3A_418 : vector<256x4096xf32>
    %jit3A_420 = arith.constant 4096 : i32
    %broadcast_in_dim3A_421 = vector.broadcast %jit3A_420 : i32 to vector<256x4096xi32>
    %select_n3A_422 = arith.select %eq3A_419, %iota3A, %broadcast_in_dim3A_421 : vector<256x4096xi1>, vector<256x4096xi32>
    %reduce_min3A_423 = arith.constant dense<2147483647> : vector<256xi32>
    %reduce_min3A_424 = vector.multi_reduction <minsi>, %select_n3A_422, %reduce_min3A_423 [1] : vector<256x4096xi32> to vector<256xi32>
    %broadcast_in_dim3A_425 = vector.shape_cast %reduce_min3A_424 : vector<256xi32> to vector<256x1xi32>
    %eq3A_426 = vector.broadcast %broadcast_in_dim3A_425 : vector<256x1xi32> to vector<256x4096xi32>
    %eq3A_427 = arith.cmpi eq, %iota3A, %eq3A_426 : vector<256x4096xi32>
    %convert_element_type3A_428 = arith.extui %eq3A_427 : vector<256x4096xi1> to vector<256x4096xi32>
    %convert_element_type3A_429 = arith.sitofp %convert_element_type3A_428 : vector<256x4096xi32> to vector<256x4096xf32>
    %dot_general3A_430 = arith.constant dense<0.000000e+00> : vector<256x32xf32>
    %dot_general3A_431 = tpu.matmul %convert_element_type3A_429, %dot_general3A_100, %dot_general3A_430 {dimension_numbers = #tpu.dot_dimension_numbers<[1], [0], [0], [1], [0, 0, 1, 1], [], []>, transpose_lhs_hint = false} : vector<256x4096xf32>, vector<4096x32xf32>, vector<256x32xf32> -> vector<256x32xf32>
    %max3A_432 = arith.maximumf %max3A_411, %dot_general3A_431 : vector<256x32xf32>
    %slice3A_433 = vector.extract_strided_slice %get3A_1 {offsets = [0, 0], sizes = [256, 8], strides = [1, 1]} : vector<256x16xf32> to vector<256x8xf32>
    %get3A_434 = arith.constant 0 : index
    %get3A_435 = arith.constant 0 : index
    %get3A_436 = vector.load %arg7[%get3A_434, %get3A_435] : memref<8x32xf32, #tpu.memory_space<vmem>>, vector<8x32xf32>
    %dot_general3A_437 = arith.constant dense<0.000000e+00> : vector<256x32xf32>
    %dot_general3A_438 = tpu.matmul %slice3A_433, %get3A_436, %dot_general3A_437 {dimension_numbers = #tpu.dot_dimension_numbers<[1], [0], [0], [1], [0, 0, 1, 1], [], []>, transpose_lhs_hint = false} : vector<256x8xf32>, vector<8x32xf32>, vector<256x32xf32> -> vector<256x32xf32>
    %get3A_439 = arith.constant 0 : index
    %get3A_440 = arith.constant 0 : index
    %get3A_441 = vector.load %arg8[%get3A_439, %get3A_440] : memref<1x32xf32, #tpu.memory_space<vmem>>, vector<1x32xf32>
    %sub3A_442 = vector.broadcast %get3A_441 : vector<1x32xf32> to vector<256x32xf32>
    %sub3A_443 = arith.subf %dot_general3A_438, %sub3A_442 : vector<256x32xf32>
    %sub3A_444 = arith.subf %max3A_432, %sub3A_443 : vector<256x32xf32>
    %neg3A = arith.constant 0.000000e+00 : f32
    %neg3A_445 = vector.broadcast %neg3A : f32 to vector<256x32xf32>
    %neg3A_446 = arith.subf %neg3A_445, %sub3A_444 : vector<256x32xf32>
    %exp3A = math.exp %neg3A_446 : vector<256x32xf32>
    %add3A_447 = arith.constant 1.000000e+00 : f32
    %add3A_448 = vector.broadcast %add3A_447 : f32 to vector<256x32xf32>
    %add3A_449 = arith.addf %add3A_448, %exp3A : vector<256x32xf32>
    %div3A = arith.constant 1.000000e+00 : f32
    %div3A_450 = vector.broadcast %div3A : f32 to vector<256x32xf32>
    %div3A_451 = arith.divf %div3A_450, %add3A_449 : vector<256x32xf32>
    %mul3A_452 = arith.mulf %sub3A_444, %div3A_451 : vector<256x32xf32>
    %swap3A = arith.constant 0 : index
    %swap3A_453 = arith.constant 0 : index
    %swap3A_454 = vector.load %arg9[%swap3A, %swap3A_453] : memref<256x32xf32, #tpu.memory_space<vmem>>, vector<256x32xf32>
    tpu.vector_store %arg9[%swap3A, %swap3A_453], %mul3A_452 {strides = array<i32>} : memref<256x32xf32, #tpu.memory_space<vmem>>, vector<256x32xf32>,
    return
  }
  func.func @transform_0(%arg0: i32) -> (i32, i32) {
    %c0_i32 = arith.constant 0 : i32
    %c0_i32_0 = arith.constant 0 : i32
    return %arg0, %c0_i32 : i32, i32
  }
  func.func @transform_1(%arg0: i32) -> (i32, i32) {
    %c0_i32 = arith.constant 0 : i32
    %c0_i32_0 = arith.constant 0 : i32
    %c0_i32_1 = arith.constant 0 : i32
    return %c0_i32, %c0_i32_0 : i32, i32
  }
  func.func @transform_2(%arg0: i32) -> (i32, i32) {
    %c0_i32 = arith.constant 0 : i32
    %c0_i32_0 = arith.constant 0 : i32
    %c0_i32_1 = arith.constant 0 : i32
    return %c0_i32, %c0_i32_0 : i32, i32
  }
  func.func @transform_3(%arg0: i32) -> (i32, i32) {
    %c0_i32 = arith.constant 0 : i32
    %c0_i32_0 = arith.constant 0 : i32
    %c0_i32_1 = arith.constant 0 : i32
    return %c0_i32, %c0_i32_0 : i32, i32
  }
  func.func @transform_4(%arg0: i32) -> (i32, i32) {
    %c0_i32 = arith.constant 0 : i32
    %c0_i32_0 = arith.constant 0 : i32
    return %arg0, %c0_i32 : i32, i32
  }
  func.func @transform_5(%arg0: i32) -> (i32, i32) {
    %c0_i32 = arith.constant 0 : i32
    %c0_i32_0 = arith.constant 0 : i32
    %c0_i32_1 = arith.constant 0 : i32
    return %c0_i32, %c0_i32_0 : i32, i32
  }
  func.func @transform_6(%arg0: i32) -> (i32, i32) {
    %c0_i32 = arith.constant 0 : i32
    %c0_i32_0 = arith.constant 0 : i32
    %c0_i32_1 = arith.constant 0 : i32
    return %c0_i32, %c0_i32_0 : i32, i32
  }
  func.func @transform_7(%arg0: i32) -> (i32, i32) {
    %c0_i32 = arith.constant 0 : i32
    %c0_i32_0 = arith.constant 0 : i32
    %c0_i32_1 = arith.constant 0 : i32
    return %c0_i32, %c0_i32_0 : i32, i32
  }
  func.func @transform_8(%arg0: i32) -> (i32, i32) {
    %c0_i32 = arith.constant 0 : i32
    %c0_i32_0 = arith.constant 0 : i32
    return %arg0, %c0_i32 : i32, i32
  }
}

module attributes {stable_mosaic.version = 14 : i64} {
  func.func @_stage2_body(%arg0: i32, %arg1: memref<256x16xf32, #tpu.memory_space<vmem>>, %arg2: memref<16x2304xf32, #tpu.memory_space<vmem>>, %arg3: memref<2304x32xf32, #tpu.memory_space<vmem>>, %arg4: memref<1x2304xi32, #tpu.memory_space<vmem>>, %arg5: memref<256x1xi32, #tpu.memory_space<vmem>>, %arg6: memref<2304x16xf32, #tpu.memory_space<vmem>>, %arg7: memref<32x32xf32, #tpu.memory_space<vmem>>, %arg8: memref<16x32xf32, #tpu.memory_space<vmem>>, %arg9: memref<1x32xf32, #tpu.memory_space<vmem>>, %arg10: memref<32x128xf32, #tpu.memory_space<vmem>>, %arg11: memref<1x128xf32, #tpu.memory_space<vmem>>, %arg12: memref<8x128xf32, #tpu.memory_space<vmem>>, %arg13: memref<8x32xf32, #tpu.memory_space<vmem>>) attributes {dimension_semantics = [#tpu.dimension_semantics<arbitrary>], iteration_bounds = array<i64: 9>, scalar_prefetch = 0 : i64, scratch_operands = 1 : i64, tpu.core_type = #tpu.core_type<tc>, window_params = [{transform_indices = @transform_0, window_bounds = array<i64: 256, 16>}, {pipeline_mode = #tpu.pipeline_mode<synchronous>, transform_indices = @transform_1, window_bounds = array<i64: 16, 2304>}, {pipeline_mode = #tpu.pipeline_mode<synchronous>, transform_indices = @transform_2, window_bounds = array<i64: 2304, 32>}, {pipeline_mode = #tpu.pipeline_mode<synchronous>, transform_indices = @transform_3, window_bounds = array<i64: 1, 2304>}, {transform_indices = @transform_4, window_bounds = array<i64: 256, 1>}, {pipeline_mode = #tpu.pipeline_mode<synchronous>, transform_indices = @transform_5, window_bounds = array<i64: 2304, 16>}, {pipeline_mode = #tpu.pipeline_mode<synchronous>, transform_indices = @transform_6, window_bounds = array<i64: 32, 32>}, {pipeline_mode = #tpu.pipeline_mode<synchronous>, transform_indices = @transform_7, window_bounds = array<i64: 16, 32>}, {pipeline_mode = #tpu.pipeline_mode<synchronous>, transform_indices = @transform_8, window_bounds = array<i64: 1, 32>}, {pipeline_mode = #tpu.pipeline_mode<synchronous>, transform_indices = @transform_9, window_bounds = array<i64: 32, 128>}, {pipeline_mode = #tpu.pipeline_mode<synchronous>, transform_indices = @transform_10, window_bounds = array<i64: 1, 128>}, {pipeline_mode = #tpu.pipeline_mode<synchronous>, transform_indices = @transform_11, window_bounds = array<i64: 8, 128>}]} {
    %eq3A = arith.constant 0 : i32
    %eq3A_0 = arith.cmpi eq, %arg0, %eq3A : i32
    %convert_element_type3A = arith.extui %eq3A_0 : i1 to i32
    %cond3A = arith.constant 0 : i32
    %cond3A_1 = arith.cmpi ne, %convert_element_type3A, %cond3A : i32
    scf.if %cond3A_1 {
      %broadcast_in_dim3A_630 = arith.constant 0xFF800000 : f32
      %broadcast_in_dim3A_631 = vector.broadcast %broadcast_in_dim3A_630 : f32 to vector<8x32xf32>
      %swap3A_632 = arith.constant 0 : index
      %swap3A_633 = arith.constant 0 : index
      %swap3A_634 = vector.load %arg13[%swap3A_632, %swap3A_633] : memref<8x32xf32, #tpu.memory_space<vmem>>, vector<8x32xf32>
      tpu.vector_store %arg13[%swap3A_632, %swap3A_633], %broadcast_in_dim3A_631 {strides = array<i32>} : memref<8x32xf32, #tpu.memory_space<vmem>>, vector<8x32xf32>,
    } else {
    }
    %get3A = arith.constant 0 : index
    %get3A_2 = arith.constant 0 : index
    %get3A_3 = vector.load %arg1[%get3A, %get3A_2] : memref<256x16xf32, #tpu.memory_space<vmem>>, vector<256x16xf32>
    %slice3A = vector.extract_strided_slice %get3A_3 {offsets = [0, 0], sizes = [256, 1], strides = [1, 1]} : vector<256x16xf32> to vector<256x1xf32>
    %slice3A_4 = vector.extract_strided_slice %get3A_3 {offsets = [0, 1], sizes = [256, 1], strides = [1, 1]} : vector<256x16xf32> to vector<256x1xf32>
    %slice3A_5 = vector.extract_strided_slice %get3A_3 {offsets = [0, 2], sizes = [256, 1], strides = [1, 1]} : vector<256x16xf32> to vector<256x1xf32>
    %get3A_6 = arith.constant 0 : index
    %get3A_7 = arith.constant 0 : index
    %get3A_8 = vector.load %arg2[%get3A_6, %get3A_7] : memref<16x2304xf32, #tpu.memory_space<vmem>>, vector<1x2304xf32>
    %get3A_9 = arith.constant 1 : index
    %get3A_10 = arith.constant 0 : index
    %get3A_11 = vector.load %arg2[%get3A_9, %get3A_10] : memref<16x2304xf32, #tpu.memory_space<vmem>>, vector<1x2304xf32>
    %get3A_12 = arith.constant 2 : index
    %get3A_13 = arith.constant 0 : index
    %get3A_14 = vector.load %arg2[%get3A_12, %get3A_13] : memref<16x2304xf32, #tpu.memory_space<vmem>>, vector<1x2304xf32>
    %convert_element_type3A_15 = arith.truncf %slice3A : vector<256x1xf32> to vector<256x1xbf16>
    %convert_element_type3A_16 = arith.extf %convert_element_type3A_15 : vector<256x1xbf16> to vector<256x1xf32>
    %sub3A = arith.subf %slice3A, %convert_element_type3A_16 : vector<256x1xf32>
    %convert_element_type3A_17 = arith.truncf %sub3A : vector<256x1xf32> to vector<256x1xbf16>
    %convert_element_type3A_18 = arith.extf %convert_element_type3A_17 : vector<256x1xbf16> to vector<256x1xf32>
    %convert_element_type3A_19 = arith.truncf %slice3A_4 : vector<256x1xf32> to vector<256x1xbf16>
    %convert_element_type3A_20 = arith.extf %convert_element_type3A_19 : vector<256x1xbf16> to vector<256x1xf32>
    %sub3A_21 = arith.subf %slice3A_4, %convert_element_type3A_20 : vector<256x1xf32>
    %convert_element_type3A_22 = arith.truncf %sub3A_21 : vector<256x1xf32> to vector<256x1xbf16>
    %convert_element_type3A_23 = arith.extf %convert_element_type3A_22 : vector<256x1xbf16> to vector<256x1xf32>
    %convert_element_type3A_24 = arith.truncf %slice3A_5 : vector<256x1xf32> to vector<256x1xbf16>
    %convert_element_type3A_25 = arith.extf %convert_element_type3A_24 : vector<256x1xbf16> to vector<256x1xf32>
    %sub3A_26 = arith.subf %slice3A_5, %convert_element_type3A_25 : vector<256x1xf32>
    %convert_element_type3A_27 = arith.truncf %sub3A_26 : vector<256x1xf32> to vector<256x1xbf16>
    %convert_element_type3A_28 = arith.extf %convert_element_type3A_27 : vector<256x1xbf16> to vector<256x1xf32>
    %convert_element_type3A_29 = arith.truncf %get3A_8 : vector<1x2304xf32> to vector<1x2304xbf16>
    %convert_element_type3A_30 = arith.extf %convert_element_type3A_29 : vector<1x2304xbf16> to vector<1x2304xf32>
    %sub3A_31 = arith.subf %get3A_8, %convert_element_type3A_30 : vector<1x2304xf32>
    %convert_element_type3A_32 = arith.truncf %sub3A_31 : vector<1x2304xf32> to vector<1x2304xbf16>
    %convert_element_type3A_33 = arith.extf %convert_element_type3A_32 : vector<1x2304xbf16> to vector<1x2304xf32>
    %convert_element_type3A_34 = arith.truncf %get3A_11 : vector<1x2304xf32> to vector<1x2304xbf16>
    %convert_element_type3A_35 = arith.extf %convert_element_type3A_34 : vector<1x2304xbf16> to vector<1x2304xf32>
    %sub3A_36 = arith.subf %get3A_11, %convert_element_type3A_35 : vector<1x2304xf32>
    %convert_element_type3A_37 = arith.truncf %sub3A_36 : vector<1x2304xf32> to vector<1x2304xbf16>
    %convert_element_type3A_38 = arith.extf %convert_element_type3A_37 : vector<1x2304xbf16> to vector<1x2304xf32>
    %convert_element_type3A_39 = arith.truncf %get3A_14 : vector<1x2304xf32> to vector<1x2304xbf16>
    %convert_element_type3A_40 = arith.extf %convert_element_type3A_39 : vector<1x2304xbf16> to vector<1x2304xf32>
    %sub3A_41 = arith.subf %get3A_14, %convert_element_type3A_40 : vector<1x2304xf32>
    %convert_element_type3A_42 = arith.truncf %sub3A_41 : vector<1x2304xf32> to vector<1x2304xbf16>
    %convert_element_type3A_43 = arith.extf %convert_element_type3A_42 : vector<1x2304xbf16> to vector<1x2304xf32>
    %mul3A = vector.broadcast %convert_element_type3A_18 : vector<256x1xf32> to vector<256x2304xf32>
    %mul3A_44 = vector.broadcast %convert_element_type3A_30 : vector<1x2304xf32> to vector<256x2304xf32>
    %mul3A_45 = arith.mulf %mul3A, %mul3A_44 : vector<256x2304xf32>
    %mul3A_46 = vector.broadcast %convert_element_type3A_23 : vector<256x1xf32> to vector<256x2304xf32>
    %mul3A_47 = vector.broadcast %convert_element_type3A_35 : vector<1x2304xf32> to vector<256x2304xf32>
    %mul3A_48 = arith.mulf %mul3A_46, %mul3A_47 : vector<256x2304xf32>
    %add3A = arith.addf %mul3A_45, %mul3A_48 : vector<256x2304xf32>
    %mul3A_49 = vector.broadcast %convert_element_type3A_28 : vector<256x1xf32> to vector<256x2304xf32>
    %mul3A_50 = vector.broadcast %convert_element_type3A_40 : vector<1x2304xf32> to vector<256x2304xf32>
    %mul3A_51 = arith.mulf %mul3A_49, %mul3A_50 : vector<256x2304xf32>
    %add3A_52 = arith.addf %add3A, %mul3A_51 : vector<256x2304xf32>
    %mul3A_53 = vector.broadcast %convert_element_type3A_16 : vector<256x1xf32> to vector<256x2304xf32>
    %mul3A_54 = vector.broadcast %convert_element_type3A_33 : vector<1x2304xf32> to vector<256x2304xf32>
    %mul3A_55 = arith.mulf %mul3A_53, %mul3A_54 : vector<256x2304xf32>
    %add3A_56 = arith.addf %add3A_52, %mul3A_55 : vector<256x2304xf32>
    %mul3A_57 = vector.broadcast %convert_element_type3A_20 : vector<256x1xf32> to vector<256x2304xf32>
    %mul3A_58 = vector.broadcast %convert_element_type3A_38 : vector<1x2304xf32> to vector<256x2304xf32>
    %mul3A_59 = arith.mulf %mul3A_57, %mul3A_58 : vector<256x2304xf32>
    %add3A_60 = arith.addf %add3A_56, %mul3A_59 : vector<256x2304xf32>
    %mul3A_61 = vector.broadcast %convert_element_type3A_25 : vector<256x1xf32> to vector<256x2304xf32>
    %mul3A_62 = vector.broadcast %convert_element_type3A_43 : vector<1x2304xf32> to vector<256x2304xf32>
    %mul3A_63 = arith.mulf %mul3A_61, %mul3A_62 : vector<256x2304xf32>
    %add3A_64 = arith.addf %add3A_60, %mul3A_63 : vector<256x2304xf32>
    %mul3A_65 = vector.broadcast %convert_element_type3A_16 : vector<256x1xf32> to vector<256x2304xf32>
    %mul3A_66 = vector.broadcast %convert_element_type3A_30 : vector<1x2304xf32> to vector<256x2304xf32>
    %mul3A_67 = arith.mulf %mul3A_65, %mul3A_66 : vector<256x2304xf32>
    %add3A_68 = arith.addf %add3A_64, %mul3A_67 : vector<256x2304xf32>
    %mul3A_69 = vector.broadcast %convert_element_type3A_20 : vector<256x1xf32> to vector<256x2304xf32>
    %mul3A_70 = vector.broadcast %convert_element_type3A_35 : vector<1x2304xf32> to vector<256x2304xf32>
    %mul3A_71 = arith.mulf %mul3A_69, %mul3A_70 : vector<256x2304xf32>
    %add3A_72 = arith.addf %add3A_68, %mul3A_71 : vector<256x2304xf32>
    %mul3A_73 = vector.broadcast %convert_element_type3A_25 : vector<256x1xf32> to vector<256x2304xf32>
    %mul3A_74 = vector.broadcast %convert_element_type3A_40 : vector<1x2304xf32> to vector<256x2304xf32>
    %mul3A_75 = arith.mulf %mul3A_73, %mul3A_74 : vector<256x2304xf32>
    %add3A_76 = arith.addf %add3A_72, %mul3A_75 : vector<256x2304xf32>
    %slice3A_77 = vector.extract_strided_slice %get3A_3 {offsets = [0, 3], sizes = [256, 1], strides = [1, 1]} : vector<256x16xf32> to vector<256x1xf32>
    %get3A_78 = arith.constant 3 : index
    %get3A_79 = arith.constant 0 : index
    %get3A_80 = vector.load %arg2[%get3A_78, %get3A_79] : memref<16x2304xf32, #tpu.memory_space<vmem>>, vector<1x2304xf32>
    %add3A_81 = vector.broadcast %slice3A_77 : vector<256x1xf32> to vector<256x2304xf32>
    %add3A_82 = vector.broadcast %get3A_80 : vector<1x2304xf32> to vector<256x2304xf32>
    %add3A_83 = arith.addf %add3A_81, %add3A_82 : vector<256x2304xf32>
    %mul3A_84 = arith.constant 2.000000e+00 : f32
    %mul3A_85 = vector.broadcast %mul3A_84 : f32 to vector<256x2304xf32>
    %mul3A_86 = arith.mulf %mul3A_85, %add3A_76 : vector<256x2304xf32>
    %sub3A_87 = arith.subf %add3A_83, %mul3A_86 : vector<256x2304xf32>
    %get3A_88 = arith.constant 0 : index
    %get3A_89 = arith.constant 0 : index
    %get3A_90 = vector.load %arg4[%get3A_88, %get3A_89] : memref<1x2304xi32, #tpu.memory_space<vmem>>, vector<1x2304xi32>
    %get3A_91 = arith.constant 0 : index
    %get3A_92 = arith.constant 0 : index
    %get3A_93 = vector.load %arg5[%get3A_91, %get3A_92] : memref<256x1xi32, #tpu.memory_space<vmem>>, vector<256x1xi32>
    %ne3A = vector.broadcast %get3A_90 : vector<1x2304xi32> to vector<256x2304xi32>
    %ne3A_94 = vector.broadcast %get3A_93 : vector<256x1xi32> to vector<256x2304xi32>
    %ne3A_95 = arith.cmpi ne, %ne3A, %ne3A_94 : vector<256x2304xi32>
    %jit3A = arith.constant 0x7F800000 : f32
    %broadcast_in_dim3A = vector.broadcast %jit3A : f32 to vector<256x2304xf32>
    %select_n3A = arith.select %ne3A_95, %broadcast_in_dim3A, %sub3A_87 : vector<256x2304xi1>, vector<256x2304xf32>
    %get3A_96 = arith.constant 0 : index
    %get3A_97 = arith.constant 0 : index
    %get3A_98 = vector.load %arg3[%get3A_96, %get3A_97] : memref<2304x32xf32, #tpu.memory_space<vmem>>, vector<2304x32xf32>
    %get3A_99 = arith.constant 0 : index
    %get3A_100 = arith.constant 0 : index
    %get3A_101 = vector.load %arg7[%get3A_99, %get3A_100] : memref<32x32xf32, #tpu.memory_space<vmem>>, vector<32x32xf32>
    %dot_general3A = arith.constant dense<0.000000e+00> : vector<2304x32xf32>
    %dot_general3A_102 = tpu.matmul %get3A_98, %get3A_101, %dot_general3A {dimension_numbers = #tpu.dot_dimension_numbers<[1], [0], [0], [1], [0, 0, 1, 1], [], []>, transpose_lhs_hint = false} : vector<2304x32xf32>, vector<32x32xf32>, vector<2304x32xf32> -> vector<2304x32xf32>
    %get3A_103 = arith.constant 0 : index
    %get3A_104 = arith.constant 0 : index
    %get3A_105 = vector.load %arg6[%get3A_103, %get3A_104] : memref<2304x16xf32, #tpu.memory_space<vmem>>, vector<2304x16xf32>
    %get3A_106 = arith.constant 0 : index
    %get3A_107 = arith.constant 0 : index
    %get3A_108 = vector.load %arg8[%get3A_106, %get3A_107] : memref<16x32xf32, #tpu.memory_space<vmem>>, vector<16x32xf32>
    %dot_general3A_109 = arith.constant dense<0.000000e+00> : vector<2304x32xf32>
    %dot_general3A_110 = tpu.matmul %get3A_105, %get3A_108, %dot_general3A_109 {dimension_numbers = #tpu.dot_dimension_numbers<[1], [0], [0], [1], [0, 0, 1, 1], [], []>, transpose_lhs_hint = false} : vector<2304x16xf32>, vector<16x32xf32>, vector<2304x32xf32> -> vector<2304x32xf32>
    %add3A_111 = arith.addf %dot_general3A_102, %dot_general3A_110 : vector<2304x32xf32>
    %iota3A = tpu.iota {dimensions = array<i32: 1>} : vector<256x2304xi32>
    %broadcast_in_dim3A_112 = arith.constant 0xFF800000 : f32
    %broadcast_in_dim3A_113 = vector.broadcast %broadcast_in_dim3A_112 : f32 to vector<256x32xf32>
    %reduce_min3A = arith.constant dense<0x7F800000> : vector<256xf32>
    %reduce_min3A_114 = vector.multi_reduction <minimumf>, %select_n3A, %reduce_min3A [1] : vector<256x2304xf32> to vector<256xf32>
    %broadcast_in_dim3A_115 = vector.shape_cast %reduce_min3A_114 : vector<256xf32> to vector<256x1xf32>
    %eq3A_116 = vector.broadcast %broadcast_in_dim3A_115 : vector<256x1xf32> to vector<256x2304xf32>
    %eq3A_117 = arith.cmpf oeq, %select_n3A, %eq3A_116 : vector<256x2304xf32>
    %jit3A_118 = arith.constant 2304 : i32
    %broadcast_in_dim3A_119 = vector.broadcast %jit3A_118 : i32 to vector<256x2304xi32>
    %select_n3A_120 = arith.select %eq3A_117, %iota3A, %broadcast_in_dim3A_119 : vector<256x2304xi1>, vector<256x2304xi32>
    %reduce_min3A_121 = arith.constant dense<2147483647> : vector<256xi32>
    %reduce_min3A_122 = vector.multi_reduction <minsi>, %select_n3A_120, %reduce_min3A_121 [1] : vector<256x2304xi32> to vector<256xi32>
    %broadcast_in_dim3A_123 = vector.shape_cast %reduce_min3A_122 : vector<256xi32> to vector<256x1xi32>
    %eq3A_124 = vector.broadcast %broadcast_in_dim3A_123 : vector<256x1xi32> to vector<256x2304xi32>
    %eq3A_125 = arith.cmpi eq, %iota3A, %eq3A_124 : vector<256x2304xi32>
    %convert_element_type3A_126 = arith.extui %eq3A_125 : vector<256x2304xi1> to vector<256x2304xi32>
    %convert_element_type3A_127 = arith.sitofp %convert_element_type3A_126 : vector<256x2304xi32> to vector<256x2304xf32>
    %dot_general3A_128 = arith.constant dense<0.000000e+00> : vector<256x32xf32>
    %dot_general3A_129 = tpu.matmul %convert_element_type3A_127, %add3A_111, %dot_general3A_128 {dimension_numbers = #tpu.dot_dimension_numbers<[1], [0], [0], [1], [0, 0, 1, 1], [], []>, transpose_lhs_hint = false} : vector<256x2304xf32>, vector<2304x32xf32>, vector<256x32xf32> -> vector<256x32xf32>
    %max3A = arith.maximumf %broadcast_in_dim3A_113, %dot_general3A_129 : vector<256x32xf32>
    %jit3A_130 = arith.constant 0x7F800000 : f32
    %broadcast_in_dim3A_131 = vector.broadcast %jit3A_130 : f32 to vector<256x2304xf32>
    %select_n3A_132 = arith.select %eq3A_125, %broadcast_in_dim3A_131, %select_n3A : vector<256x2304xi1>, vector<256x2304xf32>
    %reduce_min3A_133 = arith.constant dense<0x7F800000> : vector<256xf32>
    %reduce_min3A_134 = vector.multi_reduction <minimumf>, %select_n3A_132, %reduce_min3A_133 [1] : vector<256x2304xf32> to vector<256xf32>
    %broadcast_in_dim3A_135 = vector.shape_cast %reduce_min3A_134 : vector<256xf32> to vector<256x1xf32>
    %eq3A_136 = vector.broadcast %broadcast_in_dim3A_135 : vector<256x1xf32> to vector<256x2304xf32>
    %eq3A_137 = arith.cmpf oeq, %select_n3A_132, %eq3A_136 : vector<256x2304xf32>
    %jit3A_138 = arith.constant 2304 : i32
    %broadcast_in_dim3A_139 = vector.broadcast %jit3A_138 : i32 to vector<256x2304xi32>
    %select_n3A_140 = arith.select %eq3A_137, %iota3A, %broadcast_in_dim3A_139 : vector<256x2304xi1>, vector<256x2304xi32>
    %reduce_min3A_141 = arith.constant dense<2147483647> : vector<256xi32>
    %reduce_min3A_142 = vector.multi_reduction <minsi>, %select_n3A_140, %reduce_min3A_141 [1] : vector<256x2304xi32> to vector<256xi32>
    %broadcast_in_dim3A_143 = vector.shape_cast %reduce_min3A_142 : vector<256xi32> to vector<256x1xi32>
    %eq3A_144 = vector.broadcast %broadcast_in_dim3A_143 : vector<256x1xi32> to vector<256x2304xi32>
    %eq3A_145 = arith.cmpi eq, %iota3A, %eq3A_144 : vector<256x2304xi32>
    %convert_element_type3A_146 = arith.extui %eq3A_145 : vector<256x2304xi1> to vector<256x2304xi32>
    %convert_element_type3A_147 = arith.sitofp %convert_element_type3A_146 : vector<256x2304xi32> to vector<256x2304xf32>
    %dot_general3A_148 = arith.constant dense<0.000000e+00> : vector<256x32xf32>
    %dot_general3A_149 = tpu.matmul %convert_element_type3A_147, %add3A_111, %dot_general3A_148 {dimension_numbers = #tpu.dot_dimension_numbers<[1], [0], [0], [1], [0, 0, 1, 1], [], []>, transpose_lhs_hint = false} : vector<256x2304xf32>, vector<2304x32xf32>, vector<256x32xf32> -> vector<256x32xf32>
    %max3A_150 = arith.maximumf %max3A, %dot_general3A_149 : vector<256x32xf32>
    %jit3A_151 = arith.constant 0x7F800000 : f32
    %broadcast_in_dim3A_152 = vector.broadcast %jit3A_151 : f32 to vector<256x2304xf32>
    %select_n3A_153 = arith.select %eq3A_145, %broadcast_in_dim3A_152, %select_n3A_132 : vector<256x2304xi1>, vector<256x2304xf32>
    %reduce_min3A_154 = arith.constant dense<0x7F800000> : vector<256xf32>
    %reduce_min3A_155 = vector.multi_reduction <minimumf>, %select_n3A_153, %reduce_min3A_154 [1] : vector<256x2304xf32> to vector<256xf32>
    %broadcast_in_dim3A_156 = vector.shape_cast %reduce_min3A_155 : vector<256xf32> to vector<256x1xf32>
    %eq3A_157 = vector.broadcast %broadcast_in_dim3A_156 : vector<256x1xf32> to vector<256x2304xf32>
    %eq3A_158 = arith.cmpf oeq, %select_n3A_153, %eq3A_157 : vector<256x2304xf32>
    %jit3A_159 = arith.constant 2304 : i32
    %broadcast_in_dim3A_160 = vector.broadcast %jit3A_159 : i32 to vector<256x2304xi32>
    %select_n3A_161 = arith.select %eq3A_158, %iota3A, %broadcast_in_dim3A_160 : vector<256x2304xi1>, vector<256x2304xi32>
    %reduce_min3A_162 = arith.constant dense<2147483647> : vector<256xi32>
    %reduce_min3A_163 = vector.multi_reduction <minsi>, %select_n3A_161, %reduce_min3A_162 [1] : vector<256x2304xi32> to vector<256xi32>
    %broadcast_in_dim3A_164 = vector.shape_cast %reduce_min3A_163 : vector<256xi32> to vector<256x1xi32>
    %eq3A_165 = vector.broadcast %broadcast_in_dim3A_164 : vector<256x1xi32> to vector<256x2304xi32>
    %eq3A_166 = arith.cmpi eq, %iota3A, %eq3A_165 : vector<256x2304xi32>
    %convert_element_type3A_167 = arith.extui %eq3A_166 : vector<256x2304xi1> to vector<256x2304xi32>
    %convert_element_type3A_168 = arith.sitofp %convert_element_type3A_167 : vector<256x2304xi32> to vector<256x2304xf32>
    %dot_general3A_169 = arith.constant dense<0.000000e+00> : vector<256x32xf32>
    %dot_general3A_170 = tpu.matmul %convert_element_type3A_168, %add3A_111, %dot_general3A_169 {dimension_numbers = #tpu.dot_dimension_numbers<[1], [0], [0], [1], [0, 0, 1, 1], [], []>, transpose_lhs_hint = false} : vector<256x2304xf32>, vector<2304x32xf32>, vector<256x32xf32> -> vector<256x32xf32>
    %max3A_171 = arith.maximumf %max3A_150, %dot_general3A_170 : vector<256x32xf32>
    %jit3A_172 = arith.constant 0x7F800000 : f32
    %broadcast_in_dim3A_173 = vector.broadcast %jit3A_172 : f32 to vector<256x2304xf32>
    %select_n3A_174 = arith.select %eq3A_166, %broadcast_in_dim3A_173, %select_n3A_153 : vector<256x2304xi1>, vector<256x2304xf32>
    %reduce_min3A_175 = arith.constant dense<0x7F800000> : vector<256xf32>
    %reduce_min3A_176 = vector.multi_reduction <minimumf>, %select_n3A_174, %reduce_min3A_175 [1] : vector<256x2304xf32> to vector<256xf32>
    %broadcast_in_dim3A_177 = vector.shape_cast %reduce_min3A_176 : vector<256xf32> to vector<256x1xf32>
    %eq3A_178 = vector.broadcast %broadcast_in_dim3A_177 : vector<256x1xf32> to vector<256x2304xf32>
    %eq3A_179 = arith.cmpf oeq, %select_n3A_174, %eq3A_178 : vector<256x2304xf32>
    %jit3A_180 = arith.constant 2304 : i32
    %broadcast_in_dim3A_181 = vector.broadcast %jit3A_180 : i32 to vector<256x2304xi32>
    %select_n3A_182 = arith.select %eq3A_179, %iota3A, %broadcast_in_dim3A_181 : vector<256x2304xi1>, vector<256x2304xi32>
    %reduce_min3A_183 = arith.constant dense<2147483647> : vector<256xi32>
    %reduce_min3A_184 = vector.multi_reduction <minsi>, %select_n3A_182, %reduce_min3A_183 [1] : vector<256x2304xi32> to vector<256xi32>
    %broadcast_in_dim3A_185 = vector.shape_cast %reduce_min3A_184 : vector<256xi32> to vector<256x1xi32>
    %eq3A_186 = vector.broadcast %broadcast_in_dim3A_185 : vector<256x1xi32> to vector<256x2304xi32>
    %eq3A_187 = arith.cmpi eq, %iota3A, %eq3A_186 : vector<256x2304xi32>
    %convert_element_type3A_188 = arith.extui %eq3A_187 : vector<256x2304xi1> to vector<256x2304xi32>
    %convert_element_type3A_189 = arith.sitofp %convert_element_type3A_188 : vector<256x2304xi32> to vector<256x2304xf32>
    %dot_general3A_190 = arith.constant dense<0.000000e+00> : vector<256x32xf32>
    %dot_general3A_191 = tpu.matmul %convert_element_type3A_189, %add3A_111, %dot_general3A_190 {dimension_numbers = #tpu.dot_dimension_numbers<[1], [0], [0], [1], [0, 0, 1, 1], [], []>, transpose_lhs_hint = false} : vector<256x2304xf32>, vector<2304x32xf32>, vector<256x32xf32> -> vector<256x32xf32>
    %max3A_192 = arith.maximumf %max3A_171, %dot_general3A_191 : vector<256x32xf32>
    %jit3A_193 = arith.constant 0x7F800000 : f32
    %broadcast_in_dim3A_194 = vector.broadcast %jit3A_193 : f32 to vector<256x2304xf32>
    %select_n3A_195 = arith.select %eq3A_187, %broadcast_in_dim3A_194, %select_n3A_174 : vector<256x2304xi1>, vector<256x2304xf32>
    %reduce_min3A_196 = arith.constant dense<0x7F800000> : vector<256xf32>
    %reduce_min3A_197 = vector.multi_reduction <minimumf>, %select_n3A_195, %reduce_min3A_196 [1] : vector<256x2304xf32> to vector<256xf32>
    %broadcast_in_dim3A_198 = vector.shape_cast %reduce_min3A_197 : vector<256xf32> to vector<256x1xf32>
    %eq3A_199 = vector.broadcast %broadcast_in_dim3A_198 : vector<256x1xf32> to vector<256x2304xf32>
    %eq3A_200 = arith.cmpf oeq, %select_n3A_195, %eq3A_199 : vector<256x2304xf32>
    %jit3A_201 = arith.constant 2304 : i32
    %broadcast_in_dim3A_202 = vector.broadcast %jit3A_201 : i32 to vector<256x2304xi32>
    %select_n3A_203 = arith.select %eq3A_200, %iota3A, %broadcast_in_dim3A_202 : vector<256x2304xi1>, vector<256x2304xi32>
    %reduce_min3A_204 = arith.constant dense<2147483647> : vector<256xi32>
    %reduce_min3A_205 = vector.multi_reduction <minsi>, %select_n3A_203, %reduce_min3A_204 [1] : vector<256x2304xi32> to vector<256xi32>
    %broadcast_in_dim3A_206 = vector.shape_cast %reduce_min3A_205 : vector<256xi32> to vector<256x1xi32>
    %eq3A_207 = vector.broadcast %broadcast_in_dim3A_206 : vector<256x1xi32> to vector<256x2304xi32>
    %eq3A_208 = arith.cmpi eq, %iota3A, %eq3A_207 : vector<256x2304xi32>
    %convert_element_type3A_209 = arith.extui %eq3A_208 : vector<256x2304xi1> to vector<256x2304xi32>
    %convert_element_type3A_210 = arith.sitofp %convert_element_type3A_209 : vector<256x2304xi32> to vector<256x2304xf32>
    %dot_general3A_211 = arith.constant dense<0.000000e+00> : vector<256x32xf32>
    %dot_general3A_212 = tpu.matmul %convert_element_type3A_210, %add3A_111, %dot_general3A_211 {dimension_numbers = #tpu.dot_dimension_numbers<[1], [0], [0], [1], [0, 0, 1, 1], [], []>, transpose_lhs_hint = false} : vector<256x2304xf32>, vector<2304x32xf32>, vector<256x32xf32> -> vector<256x32xf32>
    %max3A_213 = arith.maximumf %max3A_192, %dot_general3A_212 : vector<256x32xf32>
    %jit3A_214 = arith.constant 0x7F800000 : f32
    %broadcast_in_dim3A_215 = vector.broadcast %jit3A_214 : f32 to vector<256x2304xf32>
    %select_n3A_216 = arith.select %eq3A_208, %broadcast_in_dim3A_215, %select_n3A_195 : vector<256x2304xi1>, vector<256x2304xf32>
    %reduce_min3A_217 = arith.constant dense<0x7F800000> : vector<256xf32>
    %reduce_min3A_218 = vector.multi_reduction <minimumf>, %select_n3A_216, %reduce_min3A_217 [1] : vector<256x2304xf32> to vector<256xf32>
    %broadcast_in_dim3A_219 = vector.shape_cast %reduce_min3A_218 : vector<256xf32> to vector<256x1xf32>
    %eq3A_220 = vector.broadcast %broadcast_in_dim3A_219 : vector<256x1xf32> to vector<256x2304xf32>
    %eq3A_221 = arith.cmpf oeq, %select_n3A_216, %eq3A_220 : vector<256x2304xf32>
    %jit3A_222 = arith.constant 2304 : i32
    %broadcast_in_dim3A_223 = vector.broadcast %jit3A_222 : i32 to vector<256x2304xi32>
    %select_n3A_224 = arith.select %eq3A_221, %iota3A, %broadcast_in_dim3A_223 : vector<256x2304xi1>, vector<256x2304xi32>
    %reduce_min3A_225 = arith.constant dense<2147483647> : vector<256xi32>
    %reduce_min3A_226 = vector.multi_reduction <minsi>, %select_n3A_224, %reduce_min3A_225 [1] : vector<256x2304xi32> to vector<256xi32>
    %broadcast_in_dim3A_227 = vector.shape_cast %reduce_min3A_226 : vector<256xi32> to vector<256x1xi32>
    %eq3A_228 = vector.broadcast %broadcast_in_dim3A_227 : vector<256x1xi32> to vector<256x2304xi32>
    %eq3A_229 = arith.cmpi eq, %iota3A, %eq3A_228 : vector<256x2304xi32>
    %convert_element_type3A_230 = arith.extui %eq3A_229 : vector<256x2304xi1> to vector<256x2304xi32>
    %convert_element_type3A_231 = arith.sitofp %convert_element_type3A_230 : vector<256x2304xi32> to vector<256x2304xf32>
    %dot_general3A_232 = arith.constant dense<0.000000e+00> : vector<256x32xf32>
    %dot_general3A_233 = tpu.matmul %convert_element_type3A_231, %add3A_111, %dot_general3A_232 {dimension_numbers = #tpu.dot_dimension_numbers<[1], [0], [0], [1], [0, 0, 1, 1], [], []>, transpose_lhs_hint = false} : vector<256x2304xf32>, vector<2304x32xf32>, vector<256x32xf32> -> vector<256x32xf32>
    %max3A_234 = arith.maximumf %max3A_213, %dot_general3A_233 : vector<256x32xf32>
    %jit3A_235 = arith.constant 0x7F800000 : f32
    %broadcast_in_dim3A_236 = vector.broadcast %jit3A_235 : f32 to vector<256x2304xf32>
    %select_n3A_237 = arith.select %eq3A_229, %broadcast_in_dim3A_236, %select_n3A_216 : vector<256x2304xi1>, vector<256x2304xf32>
    %reduce_min3A_238 = arith.constant dense<0x7F800000> : vector<256xf32>
    %reduce_min3A_239 = vector.multi_reduction <minimumf>, %select_n3A_237, %reduce_min3A_238 [1] : vector<256x2304xf32> to vector<256xf32>
    %broadcast_in_dim3A_240 = vector.shape_cast %reduce_min3A_239 : vector<256xf32> to vector<256x1xf32>
    %eq3A_241 = vector.broadcast %broadcast_in_dim3A_240 : vector<256x1xf32> to vector<256x2304xf32>
    %eq3A_242 = arith.cmpf oeq, %select_n3A_237, %eq3A_241 : vector<256x2304xf32>
    %jit3A_243 = arith.constant 2304 : i32
    %broadcast_in_dim3A_244 = vector.broadcast %jit3A_243 : i32 to vector<256x2304xi32>
    %select_n3A_245 = arith.select %eq3A_242, %iota3A, %broadcast_in_dim3A_244 : vector<256x2304xi1>, vector<256x2304xi32>
    %reduce_min3A_246 = arith.constant dense<2147483647> : vector<256xi32>
    %reduce_min3A_247 = vector.multi_reduction <minsi>, %select_n3A_245, %reduce_min3A_246 [1] : vector<256x2304xi32> to vector<256xi32>
    %broadcast_in_dim3A_248 = vector.shape_cast %reduce_min3A_247 : vector<256xi32> to vector<256x1xi32>
    %eq3A_249 = vector.broadcast %broadcast_in_dim3A_248 : vector<256x1xi32> to vector<256x2304xi32>
    %eq3A_250 = arith.cmpi eq, %iota3A, %eq3A_249 : vector<256x2304xi32>
    %convert_element_type3A_251 = arith.extui %eq3A_250 : vector<256x2304xi1> to vector<256x2304xi32>
    %convert_element_type3A_252 = arith.sitofp %convert_element_type3A_251 : vector<256x2304xi32> to vector<256x2304xf32>
    %dot_general3A_253 = arith.constant dense<0.000000e+00> : vector<256x32xf32>
    %dot_general3A_254 = tpu.matmul %convert_element_type3A_252, %add3A_111, %dot_general3A_253 {dimension_numbers = #tpu.dot_dimension_numbers<[1], [0], [0], [1], [0, 0, 1, 1], [], []>, transpose_lhs_hint = false} : vector<256x2304xf32>, vector<2304x32xf32>, vector<256x32xf32> -> vector<256x32xf32>
    %max3A_255 = arith.maximumf %max3A_234, %dot_general3A_254 : vector<256x32xf32>
    %jit3A_256 = arith.constant 0x7F800000 : f32
    %broadcast_in_dim3A_257 = vector.broadcast %jit3A_256 : f32 to vector<256x2304xf32>
    %select_n3A_258 = arith.select %eq3A_250, %broadcast_in_dim3A_257, %select_n3A_237 : vector<256x2304xi1>, vector<256x2304xf32>
    %reduce_min3A_259 = arith.constant dense<0x7F800000> : vector<256xf32>
    %reduce_min3A_260 = vector.multi_reduction <minimumf>, %select_n3A_258, %reduce_min3A_259 [1] : vector<256x2304xf32> to vector<256xf32>
    %broadcast_in_dim3A_261 = vector.shape_cast %reduce_min3A_260 : vector<256xf32> to vector<256x1xf32>
    %eq3A_262 = vector.broadcast %broadcast_in_dim3A_261 : vector<256x1xf32> to vector<256x2304xf32>
    %eq3A_263 = arith.cmpf oeq, %select_n3A_258, %eq3A_262 : vector<256x2304xf32>
    %jit3A_264 = arith.constant 2304 : i32
    %broadcast_in_dim3A_265 = vector.broadcast %jit3A_264 : i32 to vector<256x2304xi32>
    %select_n3A_266 = arith.select %eq3A_263, %iota3A, %broadcast_in_dim3A_265 : vector<256x2304xi1>, vector<256x2304xi32>
    %reduce_min3A_267 = arith.constant dense<2147483647> : vector<256xi32>
    %reduce_min3A_268 = vector.multi_reduction <minsi>, %select_n3A_266, %reduce_min3A_267 [1] : vector<256x2304xi32> to vector<256xi32>
    %broadcast_in_dim3A_269 = vector.shape_cast %reduce_min3A_268 : vector<256xi32> to vector<256x1xi32>
    %eq3A_270 = vector.broadcast %broadcast_in_dim3A_269 : vector<256x1xi32> to vector<256x2304xi32>
    %eq3A_271 = arith.cmpi eq, %iota3A, %eq3A_270 : vector<256x2304xi32>
    %convert_element_type3A_272 = arith.extui %eq3A_271 : vector<256x2304xi1> to vector<256x2304xi32>
    %convert_element_type3A_273 = arith.sitofp %convert_element_type3A_272 : vector<256x2304xi32> to vector<256x2304xf32>
    %dot_general3A_274 = arith.constant dense<0.000000e+00> : vector<256x32xf32>
    %dot_general3A_275 = tpu.matmul %convert_element_type3A_273, %add3A_111, %dot_general3A_274 {dimension_numbers = #tpu.dot_dimension_numbers<[1], [0], [0], [1], [0, 0, 1, 1], [], []>, transpose_lhs_hint = false} : vector<256x2304xf32>, vector<2304x32xf32>, vector<256x32xf32> -> vector<256x32xf32>
    %max3A_276 = arith.maximumf %max3A_255, %dot_general3A_275 : vector<256x32xf32>
    %jit3A_277 = arith.constant 0x7F800000 : f32
    %broadcast_in_dim3A_278 = vector.broadcast %jit3A_277 : f32 to vector<256x2304xf32>
    %select_n3A_279 = arith.select %eq3A_271, %broadcast_in_dim3A_278, %select_n3A_258 : vector<256x2304xi1>, vector<256x2304xf32>
    %reduce_min3A_280 = arith.constant dense<0x7F800000> : vector<256xf32>
    %reduce_min3A_281 = vector.multi_reduction <minimumf>, %select_n3A_279, %reduce_min3A_280 [1] : vector<256x2304xf32> to vector<256xf32>
    %broadcast_in_dim3A_282 = vector.shape_cast %reduce_min3A_281 : vector<256xf32> to vector<256x1xf32>
    %eq3A_283 = vector.broadcast %broadcast_in_dim3A_282 : vector<256x1xf32> to vector<256x2304xf32>
    %eq3A_284 = arith.cmpf oeq, %select_n3A_279, %eq3A_283 : vector<256x2304xf32>
    %jit3A_285 = arith.constant 2304 : i32
    %broadcast_in_dim3A_286 = vector.broadcast %jit3A_285 : i32 to vector<256x2304xi32>
    %select_n3A_287 = arith.select %eq3A_284, %iota3A, %broadcast_in_dim3A_286 : vector<256x2304xi1>, vector<256x2304xi32>
    %reduce_min3A_288 = arith.constant dense<2147483647> : vector<256xi32>
    %reduce_min3A_289 = vector.multi_reduction <minsi>, %select_n3A_287, %reduce_min3A_288 [1] : vector<256x2304xi32> to vector<256xi32>
    %broadcast_in_dim3A_290 = vector.shape_cast %reduce_min3A_289 : vector<256xi32> to vector<256x1xi32>
    %eq3A_291 = vector.broadcast %broadcast_in_dim3A_290 : vector<256x1xi32> to vector<256x2304xi32>
    %eq3A_292 = arith.cmpi eq, %iota3A, %eq3A_291 : vector<256x2304xi32>
    %convert_element_type3A_293 = arith.extui %eq3A_292 : vector<256x2304xi1> to vector<256x2304xi32>
    %convert_element_type3A_294 = arith.sitofp %convert_element_type3A_293 : vector<256x2304xi32> to vector<256x2304xf32>
    %dot_general3A_295 = arith.constant dense<0.000000e+00> : vector<256x32xf32>
    %dot_general3A_296 = tpu.matmul %convert_element_type3A_294, %add3A_111, %dot_general3A_295 {dimension_numbers = #tpu.dot_dimension_numbers<[1], [0], [0], [1], [0, 0, 1, 1], [], []>, transpose_lhs_hint = false} : vector<256x2304xf32>, vector<2304x32xf32>, vector<256x32xf32> -> vector<256x32xf32>
    %max3A_297 = arith.maximumf %max3A_276, %dot_general3A_296 : vector<256x32xf32>
    %jit3A_298 = arith.constant 0x7F800000 : f32
    %broadcast_in_dim3A_299 = vector.broadcast %jit3A_298 : f32 to vector<256x2304xf32>
    %select_n3A_300 = arith.select %eq3A_292, %broadcast_in_dim3A_299, %select_n3A_279 : vector<256x2304xi1>, vector<256x2304xf32>
    %reduce_min3A_301 = arith.constant dense<0x7F800000> : vector<256xf32>
    %reduce_min3A_302 = vector.multi_reduction <minimumf>, %select_n3A_300, %reduce_min3A_301 [1] : vector<256x2304xf32> to vector<256xf32>
    %broadcast_in_dim3A_303 = vector.shape_cast %reduce_min3A_302 : vector<256xf32> to vector<256x1xf32>
    %eq3A_304 = vector.broadcast %broadcast_in_dim3A_303 : vector<256x1xf32> to vector<256x2304xf32>
    %eq3A_305 = arith.cmpf oeq, %select_n3A_300, %eq3A_304 : vector<256x2304xf32>
    %jit3A_306 = arith.constant 2304 : i32
    %broadcast_in_dim3A_307 = vector.broadcast %jit3A_306 : i32 to vector<256x2304xi32>
    %select_n3A_308 = arith.select %eq3A_305, %iota3A, %broadcast_in_dim3A_307 : vector<256x2304xi1>, vector<256x2304xi32>
    %reduce_min3A_309 = arith.constant dense<2147483647> : vector<256xi32>
    %reduce_min3A_310 = vector.multi_reduction <minsi>, %select_n3A_308, %reduce_min3A_309 [1] : vector<256x2304xi32> to vector<256xi32>
    %broadcast_in_dim3A_311 = vector.shape_cast %reduce_min3A_310 : vector<256xi32> to vector<256x1xi32>
    %eq3A_312 = vector.broadcast %broadcast_in_dim3A_311 : vector<256x1xi32> to vector<256x2304xi32>
    %eq3A_313 = arith.cmpi eq, %iota3A, %eq3A_312 : vector<256x2304xi32>
    %convert_element_type3A_314 = arith.extui %eq3A_313 : vector<256x2304xi1> to vector<256x2304xi32>
    %convert_element_type3A_315 = arith.sitofp %convert_element_type3A_314 : vector<256x2304xi32> to vector<256x2304xf32>
    %dot_general3A_316 = arith.constant dense<0.000000e+00> : vector<256x32xf32>
    %dot_general3A_317 = tpu.matmul %convert_element_type3A_315, %add3A_111, %dot_general3A_316 {dimension_numbers = #tpu.dot_dimension_numbers<[1], [0], [0], [1], [0, 0, 1, 1], [], []>, transpose_lhs_hint = false} : vector<256x2304xf32>, vector<2304x32xf32>, vector<256x32xf32> -> vector<256x32xf32>
    %max3A_318 = arith.maximumf %max3A_297, %dot_general3A_317 : vector<256x32xf32>
    %jit3A_319 = arith.constant 0x7F800000 : f32
    %broadcast_in_dim3A_320 = vector.broadcast %jit3A_319 : f32 to vector<256x2304xf32>
    %select_n3A_321 = arith.select %eq3A_313, %broadcast_in_dim3A_320, %select_n3A_300 : vector<256x2304xi1>, vector<256x2304xf32>
    %reduce_min3A_322 = arith.constant dense<0x7F800000> : vector<256xf32>
    %reduce_min3A_323 = vector.multi_reduction <minimumf>, %select_n3A_321, %reduce_min3A_322 [1] : vector<256x2304xf32> to vector<256xf32>
    %broadcast_in_dim3A_324 = vector.shape_cast %reduce_min3A_323 : vector<256xf32> to vector<256x1xf32>
    %eq3A_325 = vector.broadcast %broadcast_in_dim3A_324 : vector<256x1xf32> to vector<256x2304xf32>
    %eq3A_326 = arith.cmpf oeq, %select_n3A_321, %eq3A_325 : vector<256x2304xf32>
    %jit3A_327 = arith.constant 2304 : i32
    %broadcast_in_dim3A_328 = vector.broadcast %jit3A_327 : i32 to vector<256x2304xi32>
    %select_n3A_329 = arith.select %eq3A_326, %iota3A, %broadcast_in_dim3A_328 : vector<256x2304xi1>, vector<256x2304xi32>
    %reduce_min3A_330 = arith.constant dense<2147483647> : vector<256xi32>
    %reduce_min3A_331 = vector.multi_reduction <minsi>, %select_n3A_329, %reduce_min3A_330 [1] : vector<256x2304xi32> to vector<256xi32>
    %broadcast_in_dim3A_332 = vector.shape_cast %reduce_min3A_331 : vector<256xi32> to vector<256x1xi32>
    %eq3A_333 = vector.broadcast %broadcast_in_dim3A_332 : vector<256x1xi32> to vector<256x2304xi32>
    %eq3A_334 = arith.cmpi eq, %iota3A, %eq3A_333 : vector<256x2304xi32>
    %convert_element_type3A_335 = arith.extui %eq3A_334 : vector<256x2304xi1> to vector<256x2304xi32>
    %convert_element_type3A_336 = arith.sitofp %convert_element_type3A_335 : vector<256x2304xi32> to vector<256x2304xf32>
    %dot_general3A_337 = arith.constant dense<0.000000e+00> : vector<256x32xf32>
    %dot_general3A_338 = tpu.matmul %convert_element_type3A_336, %add3A_111, %dot_general3A_337 {dimension_numbers = #tpu.dot_dimension_numbers<[1], [0], [0], [1], [0, 0, 1, 1], [], []>, transpose_lhs_hint = false} : vector<256x2304xf32>, vector<2304x32xf32>, vector<256x32xf32> -> vector<256x32xf32>
    %max3A_339 = arith.maximumf %max3A_318, %dot_general3A_338 : vector<256x32xf32>
    %jit3A_340 = arith.constant 0x7F800000 : f32
    %broadcast_in_dim3A_341 = vector.broadcast %jit3A_340 : f32 to vector<256x2304xf32>
    %select_n3A_342 = arith.select %eq3A_334, %broadcast_in_dim3A_341, %select_n3A_321 : vector<256x2304xi1>, vector<256x2304xf32>
    %reduce_min3A_343 = arith.constant dense<0x7F800000> : vector<256xf32>
    %reduce_min3A_344 = vector.multi_reduction <minimumf>, %select_n3A_342, %reduce_min3A_343 [1] : vector<256x2304xf32> to vector<256xf32>
    %broadcast_in_dim3A_345 = vector.shape_cast %reduce_min3A_344 : vector<256xf32> to vector<256x1xf32>
    %eq3A_346 = vector.broadcast %broadcast_in_dim3A_345 : vector<256x1xf32> to vector<256x2304xf32>
    %eq3A_347 = arith.cmpf oeq, %select_n3A_342, %eq3A_346 : vector<256x2304xf32>
    %jit3A_348 = arith.constant 2304 : i32
    %broadcast_in_dim3A_349 = vector.broadcast %jit3A_348 : i32 to vector<256x2304xi32>
    %select_n3A_350 = arith.select %eq3A_347, %iota3A, %broadcast_in_dim3A_349 : vector<256x2304xi1>, vector<256x2304xi32>
    %reduce_min3A_351 = arith.constant dense<2147483647> : vector<256xi32>
    %reduce_min3A_352 = vector.multi_reduction <minsi>, %select_n3A_350, %reduce_min3A_351 [1] : vector<256x2304xi32> to vector<256xi32>
    %broadcast_in_dim3A_353 = vector.shape_cast %reduce_min3A_352 : vector<256xi32> to vector<256x1xi32>
    %eq3A_354 = vector.broadcast %broadcast_in_dim3A_353 : vector<256x1xi32> to vector<256x2304xi32>
    %eq3A_355 = arith.cmpi eq, %iota3A, %eq3A_354 : vector<256x2304xi32>
    %convert_element_type3A_356 = arith.extui %eq3A_355 : vector<256x2304xi1> to vector<256x2304xi32>
    %convert_element_type3A_357 = arith.sitofp %convert_element_type3A_356 : vector<256x2304xi32> to vector<256x2304xf32>
    %dot_general3A_358 = arith.constant dense<0.000000e+00> : vector<256x32xf32>
    %dot_general3A_359 = tpu.matmul %convert_element_type3A_357, %add3A_111, %dot_general3A_358 {dimension_numbers = #tpu.dot_dimension_numbers<[1], [0], [0], [1], [0, 0, 1, 1], [], []>, transpose_lhs_hint = false} : vector<256x2304xf32>, vector<2304x32xf32>, vector<256x32xf32> -> vector<256x32xf32>
    %max3A_360 = arith.maximumf %max3A_339, %dot_general3A_359 : vector<256x32xf32>
    %jit3A_361 = arith.constant 0x7F800000 : f32
    %broadcast_in_dim3A_362 = vector.broadcast %jit3A_361 : f32 to vector<256x2304xf32>
    %select_n3A_363 = arith.select %eq3A_355, %broadcast_in_dim3A_362, %select_n3A_342 : vector<256x2304xi1>, vector<256x2304xf32>
    %reduce_min3A_364 = arith.constant dense<0x7F800000> : vector<256xf32>
    %reduce_min3A_365 = vector.multi_reduction <minimumf>, %select_n3A_363, %reduce_min3A_364 [1] : vector<256x2304xf32> to vector<256xf32>
    %broadcast_in_dim3A_366 = vector.shape_cast %reduce_min3A_365 : vector<256xf32> to vector<256x1xf32>
    %eq3A_367 = vector.broadcast %broadcast_in_dim3A_366 : vector<256x1xf32> to vector<256x2304xf32>
    %eq3A_368 = arith.cmpf oeq, %select_n3A_363, %eq3A_367 : vector<256x2304xf32>
    %jit3A_369 = arith.constant 2304 : i32
    %broadcast_in_dim3A_370 = vector.broadcast %jit3A_369 : i32 to vector<256x2304xi32>
    %select_n3A_371 = arith.select %eq3A_368, %iota3A, %broadcast_in_dim3A_370 : vector<256x2304xi1>, vector<256x2304xi32>
    %reduce_min3A_372 = arith.constant dense<2147483647> : vector<256xi32>
    %reduce_min3A_373 = vector.multi_reduction <minsi>, %select_n3A_371, %reduce_min3A_372 [1] : vector<256x2304xi32> to vector<256xi32>
    %broadcast_in_dim3A_374 = vector.shape_cast %reduce_min3A_373 : vector<256xi32> to vector<256x1xi32>
    %eq3A_375 = vector.broadcast %broadcast_in_dim3A_374 : vector<256x1xi32> to vector<256x2304xi32>
    %eq3A_376 = arith.cmpi eq, %iota3A, %eq3A_375 : vector<256x2304xi32>
    %convert_element_type3A_377 = arith.extui %eq3A_376 : vector<256x2304xi1> to vector<256x2304xi32>
    %convert_element_type3A_378 = arith.sitofp %convert_element_type3A_377 : vector<256x2304xi32> to vector<256x2304xf32>
    %dot_general3A_379 = arith.constant dense<0.000000e+00> : vector<256x32xf32>
    %dot_general3A_380 = tpu.matmul %convert_element_type3A_378, %add3A_111, %dot_general3A_379 {dimension_numbers = #tpu.dot_dimension_numbers<[1], [0], [0], [1], [0, 0, 1, 1], [], []>, transpose_lhs_hint = false} : vector<256x2304xf32>, vector<2304x32xf32>, vector<256x32xf32> -> vector<256x32xf32>
    %max3A_381 = arith.maximumf %max3A_360, %dot_general3A_380 : vector<256x32xf32>
    %jit3A_382 = arith.constant 0x7F800000 : f32
    %broadcast_in_dim3A_383 = vector.broadcast %jit3A_382 : f32 to vector<256x2304xf32>
    %select_n3A_384 = arith.select %eq3A_376, %broadcast_in_dim3A_383, %select_n3A_363 : vector<256x2304xi1>, vector<256x2304xf32>
    %reduce_min3A_385 = arith.constant dense<0x7F800000> : vector<256xf32>
    %reduce_min3A_386 = vector.multi_reduction <minimumf>, %select_n3A_384, %reduce_min3A_385 [1] : vector<256x2304xf32> to vector<256xf32>
    %broadcast_in_dim3A_387 = vector.shape_cast %reduce_min3A_386 : vector<256xf32> to vector<256x1xf32>
    %eq3A_388 = vector.broadcast %broadcast_in_dim3A_387 : vector<256x1xf32> to vector<256x2304xf32>
    %eq3A_389 = arith.cmpf oeq, %select_n3A_384, %eq3A_388 : vector<256x2304xf32>
    %jit3A_390 = arith.constant 2304 : i32
    %broadcast_in_dim3A_391 = vector.broadcast %jit3A_390 : i32 to vector<256x2304xi32>
    %select_n3A_392 = arith.select %eq3A_389, %iota3A, %broadcast_in_dim3A_391 : vector<256x2304xi1>, vector<256x2304xi32>
    %reduce_min3A_393 = arith.constant dense<2147483647> : vector<256xi32>
    %reduce_min3A_394 = vector.multi_reduction <minsi>, %select_n3A_392, %reduce_min3A_393 [1] : vector<256x2304xi32> to vector<256xi32>
    %broadcast_in_dim3A_395 = vector.shape_cast %reduce_min3A_394 : vector<256xi32> to vector<256x1xi32>
    %eq3A_396 = vector.broadcast %broadcast_in_dim3A_395 : vector<256x1xi32> to vector<256x2304xi32>
    %eq3A_397 = arith.cmpi eq, %iota3A, %eq3A_396 : vector<256x2304xi32>
    %convert_element_type3A_398 = arith.extui %eq3A_397 : vector<256x2304xi1> to vector<256x2304xi32>
    %convert_element_type3A_399 = arith.sitofp %convert_element_type3A_398 : vector<256x2304xi32> to vector<256x2304xf32>
    %dot_general3A_400 = arith.constant dense<0.000000e+00> : vector<256x32xf32>
    %dot_general3A_401 = tpu.matmul %convert_element_type3A_399, %add3A_111, %dot_general3A_400 {dimension_numbers = #tpu.dot_dimension_numbers<[1], [0], [0], [1], [0, 0, 1, 1], [], []>, transpose_lhs_hint = false} : vector<256x2304xf32>, vector<2304x32xf32>, vector<256x32xf32> -> vector<256x32xf32>
    %max3A_402 = arith.maximumf %max3A_381, %dot_general3A_401 : vector<256x32xf32>
    %jit3A_403 = arith.constant 0x7F800000 : f32
    %broadcast_in_dim3A_404 = vector.broadcast %jit3A_403 : f32 to vector<256x2304xf32>
    %select_n3A_405 = arith.select %eq3A_397, %broadcast_in_dim3A_404, %select_n3A_384 : vector<256x2304xi1>, vector<256x2304xf32>
    %reduce_min3A_406 = arith.constant dense<0x7F800000> : vector<256xf32>
    %reduce_min3A_407 = vector.multi_reduction <minimumf>, %select_n3A_405, %reduce_min3A_406 [1] : vector<256x2304xf32> to vector<256xf32>
    %broadcast_in_dim3A_408 = vector.shape_cast %reduce_min3A_407 : vector<256xf32> to vector<256x1xf32>
    %eq3A_409 = vector.broadcast %broadcast_in_dim3A_408 : vector<256x1xf32> to vector<256x2304xf32>
    %eq3A_410 = arith.cmpf oeq, %select_n3A_405, %eq3A_409 : vector<256x2304xf32>
    %jit3A_411 = arith.constant 2304 : i32
    %broadcast_in_dim3A_412 = vector.broadcast %jit3A_411 : i32 to vector<256x2304xi32>
    %select_n3A_413 = arith.select %eq3A_410, %iota3A, %broadcast_in_dim3A_412 : vector<256x2304xi1>, vector<256x2304xi32>
    %reduce_min3A_414 = arith.constant dense<2147483647> : vector<256xi32>
    %reduce_min3A_415 = vector.multi_reduction <minsi>, %select_n3A_413, %reduce_min3A_414 [1] : vector<256x2304xi32> to vector<256xi32>
    %broadcast_in_dim3A_416 = vector.shape_cast %reduce_min3A_415 : vector<256xi32> to vector<256x1xi32>
    %eq3A_417 = vector.broadcast %broadcast_in_dim3A_416 : vector<256x1xi32> to vector<256x2304xi32>
    %eq3A_418 = arith.cmpi eq, %iota3A, %eq3A_417 : vector<256x2304xi32>
    %convert_element_type3A_419 = arith.extui %eq3A_418 : vector<256x2304xi1> to vector<256x2304xi32>
    %convert_element_type3A_420 = arith.sitofp %convert_element_type3A_419 : vector<256x2304xi32> to vector<256x2304xf32>
    %dot_general3A_421 = arith.constant dense<0.000000e+00> : vector<256x32xf32>
    %dot_general3A_422 = tpu.matmul %convert_element_type3A_420, %add3A_111, %dot_general3A_421 {dimension_numbers = #tpu.dot_dimension_numbers<[1], [0], [0], [1], [0, 0, 1, 1], [], []>, transpose_lhs_hint = false} : vector<256x2304xf32>, vector<2304x32xf32>, vector<256x32xf32> -> vector<256x32xf32>
    %max3A_423 = arith.maximumf %max3A_402, %dot_general3A_422 : vector<256x32xf32>
    %jit3A_424 = arith.constant 0x7F800000 : f32
    %broadcast_in_dim3A_425 = vector.broadcast %jit3A_424 : f32 to vector<256x2304xf32>
    %select_n3A_426 = arith.select %eq3A_418, %broadcast_in_dim3A_425, %select_n3A_405 : vector<256x2304xi1>, vector<256x2304xf32>
    %reduce_min3A_427 = arith.constant dense<0x7F800000> : vector<256xf32>
    %reduce_min3A_428 = vector.multi_reduction <minimumf>, %select_n3A_426, %reduce_min3A_427 [1] : vector<256x2304xf32> to vector<256xf32>
    %broadcast_in_dim3A_429 = vector.shape_cast %reduce_min3A_428 : vector<256xf32> to vector<256x1xf32>
    %eq3A_430 = vector.broadcast %broadcast_in_dim3A_429 : vector<256x1xf32> to vector<256x2304xf32>
    %eq3A_431 = arith.cmpf oeq, %select_n3A_426, %eq3A_430 : vector<256x2304xf32>
    %jit3A_432 = arith.constant 2304 : i32
    %broadcast_in_dim3A_433 = vector.broadcast %jit3A_432 : i32 to vector<256x2304xi32>
    %select_n3A_434 = arith.select %eq3A_431, %iota3A, %broadcast_in_dim3A_433 : vector<256x2304xi1>, vector<256x2304xi32>
    %reduce_min3A_435 = arith.constant dense<2147483647> : vector<256xi32>
    %reduce_min3A_436 = vector.multi_reduction <minsi>, %select_n3A_434, %reduce_min3A_435 [1] : vector<256x2304xi32> to vector<256xi32>
    %broadcast_in_dim3A_437 = vector.shape_cast %reduce_min3A_436 : vector<256xi32> to vector<256x1xi32>
    %eq3A_438 = vector.broadcast %broadcast_in_dim3A_437 : vector<256x1xi32> to vector<256x2304xi32>
    %eq3A_439 = arith.cmpi eq, %iota3A, %eq3A_438 : vector<256x2304xi32>
    %convert_element_type3A_440 = arith.extui %eq3A_439 : vector<256x2304xi1> to vector<256x2304xi32>
    %convert_element_type3A_441 = arith.sitofp %convert_element_type3A_440 : vector<256x2304xi32> to vector<256x2304xf32>
    %dot_general3A_442 = arith.constant dense<0.000000e+00> : vector<256x32xf32>
    %dot_general3A_443 = tpu.matmul %convert_element_type3A_441, %add3A_111, %dot_general3A_442 {dimension_numbers = #tpu.dot_dimension_numbers<[1], [0], [0], [1], [0, 0, 1, 1], [], []>, transpose_lhs_hint = false} : vector<256x2304xf32>, vector<2304x32xf32>, vector<256x32xf32> -> vector<256x32xf32>
    %max3A_444 = arith.maximumf %max3A_423, %dot_general3A_443 : vector<256x32xf32>
    %get3A_445 = arith.constant 0 : index
    %get3A_446 = arith.constant 0 : index
    %get3A_447 = vector.load %arg8[%get3A_445, %get3A_446] : memref<16x32xf32, #tpu.memory_space<vmem>>, vector<16x32xf32>
    %dot_general3A_448 = arith.constant dense<0.000000e+00> : vector<256x32xf32>
    %dot_general3A_449 = tpu.matmul %get3A_3, %get3A_447, %dot_general3A_448 {dimension_numbers = #tpu.dot_dimension_numbers<[1], [0], [0], [1], [0, 0, 1, 1], [], []>, transpose_lhs_hint = false} : vector<256x16xf32>, vector<16x32xf32>, vector<256x32xf32> -> vector<256x32xf32>
    %get3A_450 = arith.constant 0 : index
    %get3A_451 = arith.constant 0 : index
    %get3A_452 = vector.load %arg9[%get3A_450, %get3A_451] : memref<1x32xf32, #tpu.memory_space<vmem>>, vector<1x32xf32>
    %sub3A_453 = vector.broadcast %get3A_452 : vector<1x32xf32> to vector<256x32xf32>
    %sub3A_454 = arith.subf %dot_general3A_449, %sub3A_453 : vector<256x32xf32>
    %sub3A_455 = arith.subf %max3A_444, %sub3A_454 : vector<256x32xf32>
    %neg3A = arith.constant 0.000000e+00 : f32
    %neg3A_456 = vector.broadcast %neg3A : f32 to vector<256x32xf32>
    %neg3A_457 = arith.subf %neg3A_456, %sub3A_455 : vector<256x32xf32>
    %exp3A = math.exp %neg3A_457 : vector<256x32xf32>
    %add3A_458 = arith.constant 1.000000e+00 : f32
    %add3A_459 = vector.broadcast %add3A_458 : f32 to vector<256x32xf32>
    %add3A_460 = arith.addf %add3A_459, %exp3A : vector<256x32xf32>
    %div3A = arith.constant 1.000000e+00 : f32
    %div3A_461 = vector.broadcast %div3A : f32 to vector<256x32xf32>
    %div3A_462 = arith.divf %div3A_461, %add3A_460 : vector<256x32xf32>
    %mul3A_463 = arith.mulf %sub3A_455, %div3A_462 : vector<256x32xf32>
    %get3A_464 = arith.constant 0 : index
    %get3A_465 = arith.constant 0 : index
    %get3A_466 = vector.load %arg5[%get3A_464, %get3A_465] : memref<256x1xi32, #tpu.memory_space<vmem>>, vector<256x1xi32>
    %eq3A_467 = arith.constant 0 : i32
    %eq3A_468 = vector.broadcast %eq3A_467 : i32 to vector<256x1xi32>
    %eq3A_469 = arith.cmpi eq, %get3A_466, %eq3A_468 : vector<256x1xi32>
    %jit3A_470 = arith.constant 0xFF800000 : f32
    %broadcast_in_dim3A_471 = vector.shape_cast %eq3A_469 : vector<256x1xi1> to vector<256x1xi1>
    %broadcast_in_dim3A_472 = vector.broadcast %broadcast_in_dim3A_471 : vector<256x1xi1> to vector<256x32xi1>
    %broadcast_in_dim3A_473 = vector.broadcast %jit3A_470 : f32 to vector<256x32xf32>
    %select_n3A_474 = arith.select %broadcast_in_dim3A_472, %mul3A_463, %broadcast_in_dim3A_473 : vector<256x32xi1>, vector<256x32xf32>
    %reduce_max3A = arith.constant dense<0xFF800000> : vector<32xf32>
    %reduce_max3A_475 = vector.multi_reduction <maximumf>, %select_n3A_474, %reduce_max3A [0] : vector<256x32xf32> to vector<32xf32>
    %get3A_476 = arith.constant 0 : index
    %get3A_477 = arith.constant 0 : index
    %get3A_478 = vector.load %arg13[%get3A_476, %get3A_477] : memref<8x32xf32, #tpu.memory_space<vmem>>, vector<1x32xf32>
    %get3A_479 = vector.shape_cast %get3A_478 : vector<1x32xf32> to vector<32xf32>
    %max3A_480 = arith.maximumf %get3A_479, %reduce_max3A_475 : vector<32xf32>
    %swap3A = arith.constant 0 : index
    %swap3A_481 = arith.constant 0 : index
    %swap3A_482 = vector.load %arg13[%swap3A, %swap3A_481] : memref<8x32xf32, #tpu.memory_space<vmem>>, vector<1x32xf32>
    %swap3A_483 = vector.shape_cast %swap3A_482 : vector<1x32xf32> to vector<32xf32>
    %swap3A_484 = vector.shape_cast %max3A_480 : vector<32xf32> to vector<1x32xf32>
    tpu.vector_store %arg13[%swap3A, %swap3A_481], %swap3A_484 {strides = array<i32>} : memref<8x32xf32, #tpu.memory_space<vmem>>, vector<1x32xf32>,
    %eq3A_485 = arith.constant 1 : i32
    %eq3A_486 = vector.broadcast %eq3A_485 : i32 to vector<256x1xi32>
    %eq3A_487 = arith.cmpi eq, %get3A_466, %eq3A_486 : vector<256x1xi32>
    %jit3A_488 = arith.constant 0xFF800000 : f32
    %broadcast_in_dim3A_489 = vector.shape_cast %eq3A_487 : vector<256x1xi1> to vector<256x1xi1>
    %broadcast_in_dim3A_490 = vector.broadcast %broadcast_in_dim3A_489 : vector<256x1xi1> to vector<256x32xi1>
    %broadcast_in_dim3A_491 = vector.broadcast %jit3A_488 : f32 to vector<256x32xf32>
    %select_n3A_492 = arith.select %broadcast_in_dim3A_490, %mul3A_463, %broadcast_in_dim3A_491 : vector<256x32xi1>, vector<256x32xf32>
    %reduce_max3A_493 = arith.constant dense<0xFF800000> : vector<32xf32>
    %reduce_max3A_494 = vector.multi_reduction <maximumf>, %select_n3A_492, %reduce_max3A_493 [0] : vector<256x32xf32> to vector<32xf32>
    %get3A_495 = arith.constant 1 : index
    %get3A_496 = arith.constant 0 : index
    %get3A_497 = vector.load %arg13[%get3A_495, %get3A_496] : memref<8x32xf32, #tpu.memory_space<vmem>>, vector<1x32xf32>
    %get3A_498 = vector.shape_cast %get3A_497 : vector<1x32xf32> to vector<32xf32>
    %max3A_499 = arith.maximumf %get3A_498, %reduce_max3A_494 : vector<32xf32>
    %swap3A_500 = arith.constant 1 : index
    %swap3A_501 = arith.constant 0 : index
    %swap3A_502 = vector.load %arg13[%swap3A_500, %swap3A_501] : memref<8x32xf32, #tpu.memory_space<vmem>>, vector<1x32xf32>
    %swap3A_503 = vector.shape_cast %swap3A_502 : vector<1x32xf32> to vector<32xf32>
    %swap3A_504 = vector.shape_cast %max3A_499 : vector<32xf32> to vector<1x32xf32>
    tpu.vector_store %arg13[%swap3A_500, %swap3A_501], %swap3A_504 {strides = array<i32>} : memref<8x32xf32, #tpu.memory_space<vmem>>, vector<1x32xf32>,
    %eq3A_505 = arith.constant 2 : i32
    %eq3A_506 = vector.broadcast %eq3A_505 : i32 to vector<256x1xi32>
    %eq3A_507 = arith.cmpi eq, %get3A_466, %eq3A_506 : vector<256x1xi32>
    %jit3A_508 = arith.constant 0xFF800000 : f32
    %broadcast_in_dim3A_509 = vector.shape_cast %eq3A_507 : vector<256x1xi1> to vector<256x1xi1>
    %broadcast_in_dim3A_510 = vector.broadcast %broadcast_in_dim3A_509 : vector<256x1xi1> to vector<256x32xi1>
    %broadcast_in_dim3A_511 = vector.broadcast %jit3A_508 : f32 to vector<256x32xf32>
    %select_n3A_512 = arith.select %broadcast_in_dim3A_510, %mul3A_463, %broadcast_in_dim3A_511 : vector<256x32xi1>, vector<256x32xf32>
    %reduce_max3A_513 = arith.constant dense<0xFF800000> : vector<32xf32>
    %reduce_max3A_514 = vector.multi_reduction <maximumf>, %select_n3A_512, %reduce_max3A_513 [0] : vector<256x32xf32> to vector<32xf32>
    %get3A_515 = arith.constant 2 : index
    %get3A_516 = arith.constant 0 : index
    %get3A_517 = vector.load %arg13[%get3A_515, %get3A_516] : memref<8x32xf32, #tpu.memory_space<vmem>>, vector<1x32xf32>
    %get3A_518 = vector.shape_cast %get3A_517 : vector<1x32xf32> to vector<32xf32>
    %max3A_519 = arith.maximumf %get3A_518, %reduce_max3A_514 : vector<32xf32>
    %swap3A_520 = arith.constant 2 : index
    %swap3A_521 = arith.constant 0 : index
    %swap3A_522 = vector.load %arg13[%swap3A_520, %swap3A_521] : memref<8x32xf32, #tpu.memory_space<vmem>>, vector<1x32xf32>
    %swap3A_523 = vector.shape_cast %swap3A_522 : vector<1x32xf32> to vector<32xf32>
    %swap3A_524 = vector.shape_cast %max3A_519 : vector<32xf32> to vector<1x32xf32>
    tpu.vector_store %arg13[%swap3A_520, %swap3A_521], %swap3A_524 {strides = array<i32>} : memref<8x32xf32, #tpu.memory_space<vmem>>, vector<1x32xf32>,
    %eq3A_525 = arith.constant 3 : i32
    %eq3A_526 = vector.broadcast %eq3A_525 : i32 to vector<256x1xi32>
    %eq3A_527 = arith.cmpi eq, %get3A_466, %eq3A_526 : vector<256x1xi32>
    %jit3A_528 = arith.constant 0xFF800000 : f32
    %broadcast_in_dim3A_529 = vector.shape_cast %eq3A_527 : vector<256x1xi1> to vector<256x1xi1>
    %broadcast_in_dim3A_530 = vector.broadcast %broadcast_in_dim3A_529 : vector<256x1xi1> to vector<256x32xi1>
    %broadcast_in_dim3A_531 = vector.broadcast %jit3A_528 : f32 to vector<256x32xf32>
    %select_n3A_532 = arith.select %broadcast_in_dim3A_530, %mul3A_463, %broadcast_in_dim3A_531 : vector<256x32xi1>, vector<256x32xf32>
    %reduce_max3A_533 = arith.constant dense<0xFF800000> : vector<32xf32>
    %reduce_max3A_534 = vector.multi_reduction <maximumf>, %select_n3A_532, %reduce_max3A_533 [0] : vector<256x32xf32> to vector<32xf32>
    %get3A_535 = arith.constant 3 : index
    %get3A_536 = arith.constant 0 : index
    %get3A_537 = vector.load %arg13[%get3A_535, %get3A_536] : memref<8x32xf32, #tpu.memory_space<vmem>>, vector<1x32xf32>
    %get3A_538 = vector.shape_cast %get3A_537 : vector<1x32xf32> to vector<32xf32>
    %max3A_539 = arith.maximumf %get3A_538, %reduce_max3A_534 : vector<32xf32>
    %swap3A_540 = arith.constant 3 : index
    %swap3A_541 = arith.constant 0 : index
    %swap3A_542 = vector.load %arg13[%swap3A_540, %swap3A_541] : memref<8x32xf32, #tpu.memory_space<vmem>>, vector<1x32xf32>
    %swap3A_543 = vector.shape_cast %swap3A_542 : vector<1x32xf32> to vector<32xf32>
    %swap3A_544 = vector.shape_cast %max3A_539 : vector<32xf32> to vector<1x32xf32>
    tpu.vector_store %arg13[%swap3A_540, %swap3A_541], %swap3A_544 {strides = array<i32>} : memref<8x32xf32, #tpu.memory_space<vmem>>, vector<1x32xf32>,
    %eq3A_545 = arith.constant 4 : i32
    %eq3A_546 = vector.broadcast %eq3A_545 : i32 to vector<256x1xi32>
    %eq3A_547 = arith.cmpi eq, %get3A_466, %eq3A_546 : vector<256x1xi32>
    %jit3A_548 = arith.constant 0xFF800000 : f32
    %broadcast_in_dim3A_549 = vector.shape_cast %eq3A_547 : vector<256x1xi1> to vector<256x1xi1>
    %broadcast_in_dim3A_550 = vector.broadcast %broadcast_in_dim3A_549 : vector<256x1xi1> to vector<256x32xi1>
    %broadcast_in_dim3A_551 = vector.broadcast %jit3A_548 : f32 to vector<256x32xf32>
    %select_n3A_552 = arith.select %broadcast_in_dim3A_550, %mul3A_463, %broadcast_in_dim3A_551 : vector<256x32xi1>, vector<256x32xf32>
    %reduce_max3A_553 = arith.constant dense<0xFF800000> : vector<32xf32>
    %reduce_max3A_554 = vector.multi_reduction <maximumf>, %select_n3A_552, %reduce_max3A_553 [0] : vector<256x32xf32> to vector<32xf32>
    %get3A_555 = arith.constant 4 : index
    %get3A_556 = arith.constant 0 : index
    %get3A_557 = vector.load %arg13[%get3A_555, %get3A_556] : memref<8x32xf32, #tpu.memory_space<vmem>>, vector<1x32xf32>
    %get3A_558 = vector.shape_cast %get3A_557 : vector<1x32xf32> to vector<32xf32>
    %max3A_559 = arith.maximumf %get3A_558, %reduce_max3A_554 : vector<32xf32>
    %swap3A_560 = arith.constant 4 : index
    %swap3A_561 = arith.constant 0 : index
    %swap3A_562 = vector.load %arg13[%swap3A_560, %swap3A_561] : memref<8x32xf32, #tpu.memory_space<vmem>>, vector<1x32xf32>
    %swap3A_563 = vector.shape_cast %swap3A_562 : vector<1x32xf32> to vector<32xf32>
    %swap3A_564 = vector.shape_cast %max3A_559 : vector<32xf32> to vector<1x32xf32>
    tpu.vector_store %arg13[%swap3A_560, %swap3A_561], %swap3A_564 {strides = array<i32>} : memref<8x32xf32, #tpu.memory_space<vmem>>, vector<1x32xf32>,
    %eq3A_565 = arith.constant 5 : i32
    %eq3A_566 = vector.broadcast %eq3A_565 : i32 to vector<256x1xi32>
    %eq3A_567 = arith.cmpi eq, %get3A_466, %eq3A_566 : vector<256x1xi32>
    %jit3A_568 = arith.constant 0xFF800000 : f32
    %broadcast_in_dim3A_569 = vector.shape_cast %eq3A_567 : vector<256x1xi1> to vector<256x1xi1>
    %broadcast_in_dim3A_570 = vector.broadcast %broadcast_in_dim3A_569 : vector<256x1xi1> to vector<256x32xi1>
    %broadcast_in_dim3A_571 = vector.broadcast %jit3A_568 : f32 to vector<256x32xf32>
    %select_n3A_572 = arith.select %broadcast_in_dim3A_570, %mul3A_463, %broadcast_in_dim3A_571 : vector<256x32xi1>, vector<256x32xf32>
    %reduce_max3A_573 = arith.constant dense<0xFF800000> : vector<32xf32>
    %reduce_max3A_574 = vector.multi_reduction <maximumf>, %select_n3A_572, %reduce_max3A_573 [0] : vector<256x32xf32> to vector<32xf32>
    %get3A_575 = arith.constant 5 : index
    %get3A_576 = arith.constant 0 : index
    %get3A_577 = vector.load %arg13[%get3A_575, %get3A_576] : memref<8x32xf32, #tpu.memory_space<vmem>>, vector<1x32xf32>
    %get3A_578 = vector.shape_cast %get3A_577 : vector<1x32xf32> to vector<32xf32>
    %max3A_579 = arith.maximumf %get3A_578, %reduce_max3A_574 : vector<32xf32>
    %swap3A_580 = arith.constant 5 : index
    %swap3A_581 = arith.constant 0 : index
    %swap3A_582 = vector.load %arg13[%swap3A_580, %swap3A_581] : memref<8x32xf32, #tpu.memory_space<vmem>>, vector<1x32xf32>
    %swap3A_583 = vector.shape_cast %swap3A_582 : vector<1x32xf32> to vector<32xf32>
    %swap3A_584 = vector.shape_cast %max3A_579 : vector<32xf32> to vector<1x32xf32>
    tpu.vector_store %arg13[%swap3A_580, %swap3A_581], %swap3A_584 {strides = array<i32>} : memref<8x32xf32, #tpu.memory_space<vmem>>, vector<1x32xf32>,
    %eq3A_585 = arith.constant 6 : i32
    %eq3A_586 = vector.broadcast %eq3A_585 : i32 to vector<256x1xi32>
    %eq3A_587 = arith.cmpi eq, %get3A_466, %eq3A_586 : vector<256x1xi32>
    %jit3A_588 = arith.constant 0xFF800000 : f32
    %broadcast_in_dim3A_589 = vector.shape_cast %eq3A_587 : vector<256x1xi1> to vector<256x1xi1>
    %broadcast_in_dim3A_590 = vector.broadcast %broadcast_in_dim3A_589 : vector<256x1xi1> to vector<256x32xi1>
    %broadcast_in_dim3A_591 = vector.broadcast %jit3A_588 : f32 to vector<256x32xf32>
    %select_n3A_592 = arith.select %broadcast_in_dim3A_590, %mul3A_463, %broadcast_in_dim3A_591 : vector<256x32xi1>, vector<256x32xf32>
    %reduce_max3A_593 = arith.constant dense<0xFF800000> : vector<32xf32>
    %reduce_max3A_594 = vector.multi_reduction <maximumf>, %select_n3A_592, %reduce_max3A_593 [0] : vector<256x32xf32> to vector<32xf32>
    %get3A_595 = arith.constant 6 : index
    %get3A_596 = arith.constant 0 : index
    %get3A_597 = vector.load %arg13[%get3A_595, %get3A_596] : memref<8x32xf32, #tpu.memory_space<vmem>>, vector<1x32xf32>
    %get3A_598 = vector.shape_cast %get3A_597 : vector<1x32xf32> to vector<32xf32>
    %max3A_599 = arith.maximumf %get3A_598, %reduce_max3A_594 : vector<32xf32>
    %swap3A_600 = arith.constant 6 : index
    %swap3A_601 = arith.constant 0 : index
    %swap3A_602 = vector.load %arg13[%swap3A_600, %swap3A_601] : memref<8x32xf32, #tpu.memory_space<vmem>>, vector<1x32xf32>
    %swap3A_603 = vector.shape_cast %swap3A_602 : vector<1x32xf32> to vector<32xf32>
    %swap3A_604 = vector.shape_cast %max3A_599 : vector<32xf32> to vector<1x32xf32>
    tpu.vector_store %arg13[%swap3A_600, %swap3A_601], %swap3A_604 {strides = array<i32>} : memref<8x32xf32, #tpu.memory_space<vmem>>, vector<1x32xf32>,
    %eq3A_605 = arith.constant 7 : i32
    %eq3A_606 = vector.broadcast %eq3A_605 : i32 to vector<256x1xi32>
    %eq3A_607 = arith.cmpi eq, %get3A_466, %eq3A_606 : vector<256x1xi32>
    %jit3A_608 = arith.constant 0xFF800000 : f32
    %broadcast_in_dim3A_609 = vector.shape_cast %eq3A_607 : vector<256x1xi1> to vector<256x1xi1>
    %broadcast_in_dim3A_610 = vector.broadcast %broadcast_in_dim3A_609 : vector<256x1xi1> to vector<256x32xi1>
    %broadcast_in_dim3A_611 = vector.broadcast %jit3A_608 : f32 to vector<256x32xf32>
    %select_n3A_612 = arith.select %broadcast_in_dim3A_610, %mul3A_463, %broadcast_in_dim3A_611 : vector<256x32xi1>, vector<256x32xf32>
    %reduce_max3A_613 = arith.constant dense<0xFF800000> : vector<32xf32>
    %reduce_max3A_614 = vector.multi_reduction <maximumf>, %select_n3A_612, %reduce_max3A_613 [0] : vector<256x32xf32> to vector<32xf32>
    %get3A_615 = arith.constant 7 : index
    %get3A_616 = arith.constant 0 : index
    %get3A_617 = vector.load %arg13[%get3A_615, %get3A_616] : memref<8x32xf32, #tpu.memory_space<vmem>>, vector<1x32xf32>
    %get3A_618 = vector.shape_cast %get3A_617 : vector<1x32xf32> to vector<32xf32>
    %max3A_619 = arith.maximumf %get3A_618, %reduce_max3A_614 : vector<32xf32>
    %swap3A_620 = arith.constant 7 : index
    %swap3A_621 = arith.constant 0 : index
    %swap3A_622 = vector.load %arg13[%swap3A_620, %swap3A_621] : memref<8x32xf32, #tpu.memory_space<vmem>>, vector<1x32xf32>
    %swap3A_623 = vector.shape_cast %swap3A_622 : vector<1x32xf32> to vector<32xf32>
    %swap3A_624 = vector.shape_cast %max3A_619 : vector<32xf32> to vector<1x32xf32>
    tpu.vector_store %arg13[%swap3A_620, %swap3A_621], %swap3A_624 {strides = array<i32>} : memref<8x32xf32, #tpu.memory_space<vmem>>, vector<1x32xf32>,
    %eq3A_625 = arith.constant 8 : i32
    %eq3A_626 = arith.cmpi eq, %arg0, %eq3A_625 : i32
    %convert_element_type3A_627 = arith.extui %eq3A_626 : i1 to i32
    %cond3A_628 = arith.constant 0 : i32
    %cond3A_629 = arith.cmpi ne, %convert_element_type3A_627, %cond3A_628 : i32
    scf.if %cond3A_629 {
      %get3A_630 = arith.constant 0 : index
      %get3A_631 = arith.constant 0 : index
      %get3A_632 = vector.load %arg13[%get3A_630, %get3A_631] : memref<8x32xf32, #tpu.memory_space<vmem>>, vector<8x32xf32>
      %get3A_633 = arith.constant 0 : index
      %get3A_634 = arith.constant 0 : index
      %get3A_635 = vector.load %arg10[%get3A_633, %get3A_634] : memref<32x128xf32, #tpu.memory_space<vmem>>, vector<32x128xf32>
      %dot_general3A_636 = arith.constant dense<0.000000e+00> : vector<8x128xf32>
      %dot_general3A_637 = tpu.matmul %get3A_632, %get3A_635, %dot_general3A_636 {dimension_numbers = #tpu.dot_dimension_numbers<[1], [0], [0], [1], [0, 0, 1, 1], [], []>, transpose_lhs_hint = false} : vector<8x32xf32>, vector<32x128xf32>, vector<8x128xf32> -> vector<8x128xf32>
      %get3A_638 = arith.constant 0 : index
      %get3A_639 = arith.constant 0 : index
      %get3A_640 = vector.load %arg11[%get3A_638, %get3A_639] : memref<1x128xf32, #tpu.memory_space<vmem>>, vector<1x128xf32>
      %add3A_641 = vector.broadcast %get3A_640 : vector<1x128xf32> to vector<8x128xf32>
      %add3A_642 = arith.addf %dot_general3A_637, %add3A_641 : vector<8x128xf32>
      %swap3A_643 = arith.constant 0 : index
      %swap3A_644 = arith.constant 0 : index
      %swap3A_645 = vector.load %arg12[%swap3A_643, %swap3A_644] : memref<8x128xf32, #tpu.memory_space<vmem>>, vector<8x128xf32>
      tpu.vector_store %arg12[%swap3A_643, %swap3A_644], %add3A_642 {strides = array<i32>} : memref<8x128xf32, #tpu.memory_space<vmem>>, vector<8x128xf32>,
    } else {
    }
    return
  }
  func.func @transform_0(%arg0: i32) -> (i32, i32) {
    %c0_i32 = arith.constant 0 : i32
    %c0_i32_0 = arith.constant 0 : i32
    return %arg0, %c0_i32 : i32, i32
  }
  func.func @transform_1(%arg0: i32) -> (i32, i32) {
    %c0_i32 = arith.constant 0 : i32
    %c0_i32_0 = arith.constant 0 : i32
    %c0_i32_1 = arith.constant 0 : i32
    return %c0_i32, %c0_i32_0 : i32, i32
  }
  func.func @transform_2(%arg0: i32) -> (i32, i32) {
    %c0_i32 = arith.constant 0 : i32
    %c0_i32_0 = arith.constant 0 : i32
    %c0_i32_1 = arith.constant 0 : i32
    return %c0_i32, %c0_i32_0 : i32, i32
  }
  func.func @transform_3(%arg0: i32) -> (i32, i32) {
    %c0_i32 = arith.constant 0 : i32
    %c0_i32_0 = arith.constant 0 : i32
    %c0_i32_1 = arith.constant 0 : i32
    return %c0_i32, %c0_i32_0 : i32, i32
  }
  func.func @transform_4(%arg0: i32) -> (i32, i32) {
    %c0_i32 = arith.constant 0 : i32
    %c0_i32_0 = arith.constant 0 : i32
    return %arg0, %c0_i32 : i32, i32
  }
  func.func @transform_5(%arg0: i32) -> (i32, i32) {
    %c0_i32 = arith.constant 0 : i32
    %c0_i32_0 = arith.constant 0 : i32
    %c0_i32_1 = arith.constant 0 : i32
    return %c0_i32, %c0_i32_0 : i32, i32
  }
  func.func @transform_6(%arg0: i32) -> (i32, i32) {
    %c0_i32 = arith.constant 0 : i32
    %c0_i32_0 = arith.constant 0 : i32
    %c0_i32_1 = arith.constant 0 : i32
    return %c0_i32, %c0_i32_0 : i32, i32
  }
  func.func @transform_7(%arg0: i32) -> (i32, i32) {
    %c0_i32 = arith.constant 0 : i32
    %c0_i32_0 = arith.constant 0 : i32
    %c0_i32_1 = arith.constant 0 : i32
    return %c0_i32, %c0_i32_0 : i32, i32
  }
  func.func @transform_8(%arg0: i32) -> (i32, i32) {
    %c0_i32 = arith.constant 0 : i32
    %c0_i32_0 = arith.constant 0 : i32
    %c0_i32_1 = arith.constant 0 : i32
    return %c0_i32, %c0_i32_0 : i32, i32
  }
  func.func @transform_9(%arg0: i32) -> (i32, i32) {
    %c0_i32 = arith.constant 0 : i32
    %c0_i32_0 = arith.constant 0 : i32
    %c0_i32_1 = arith.constant 0 : i32
    return %c0_i32, %c0_i32_0 : i32, i32
  }
  func.func @transform_10(%arg0: i32) -> (i32, i32) {
    %c0_i32 = arith.constant 0 : i32
    %c0_i32_0 = arith.constant 0 : i32
    %c0_i32_1 = arith.constant 0 : i32
    return %c0_i32, %c0_i32_0 : i32, i32
  }
  func.func @transform_11(%arg0: i32) -> (i32, i32) {
    %c0_i32 = arith.constant 0 : i32
    %c0_i32_0 = arith.constant 0 : i32
    %c0_i32_1 = arith.constant 0 : i32
    return %c0_i32, %c0_i32_0 : i32, i32
  }
}

</mosaic_0001>

<sc_bundles>
// kernel: gather_offload_async_start
scs
__scs_entry_jumppad:
0x0: {  	(pc) =	sbr.rel $0x88, $3  }
0x1: {  	(tag) =	ssettag $0x0;
	lr =	simm.s32 $0x1  }
0x2: {  	[smem:$0x3F99] =	sst lr;
	_ =	strace $0xD0000000  }
0x3: {  	_ = 	snop  }
0x4: {  	_ = 	snop  }
0x5: {  	_ = 	snop  }
0x6: {  	_ = 	snop  }
0x7: {  	_ = 	snop  }
__scs_overlays_trampoline_lowered:
0x8: {  	[smem:$0x3FA8] =	sst s0  }
0x9: {  	[smem:$0x3FA9] =	sst s1  }
0xa: {  	[smem:$0x3FAA] =	sst s2  }
0xb: {  	[smem:$0x3FAB] =	sst s3  }
0xc: {  	[smem:$0x3FAC] =	sst s4  }
0xd: {  	[smem:$0x3FAD] =	sst s5  }
0xe: {  	[smem:$0x3FAE] =	sst s6  }
0xf: {  	[smem:$0x3FAF] =	sst s7  }
0x10: {  	[smem:$0x3FB0] =	sst s8  }
0x11: {  	[smem:$0x3FB1] =	sst s9;
	s0 =	simm.s32 @!p0 $0x0  }
0x12: {  	s1 =	sld [smem:$0x3F97];
	s0 =	simm.s32 @p0 $0x1  }
0x13: {  	[smem:$0x3FB2] =	sst s0;
	s0 =	simm.s32 @!p1 $0x0  }
0x14: {  	s2 =	sld [smem:$0x3F96];
	s0 =	simm.s32 @p1 $0x1  }
0x15: {  	[smem:$0x3FB3] =	sst s0;
	s0 =	simm.s32 @!p2 $0x0  }
0x16: {  	s3 =	sld [smem:$0x3FDB];
	s0 =	simm.s32 @p2 $0x1  }
0x17: {  	s4 =	simm.s32 $0x1BF5;
	[smem:$0x3FB5] =	sst s0  }
0x18: {  	s0 =	sld [smem:$0x3F98];
	_ =	swait.ge [sflag:s4], $0x0  }
0x19: {  	s7 =	sld [smem:$0x3F99]  }
0x1a: {  	s8 =	sadd.s32 $0xFFFFE003, lr  }
0x1b: {  	s9 =	sadd.s32 $0xFFFFFEF7, lr;
	s5 =	simm.s32 $0xFFFFFFFF;
	p2 =	slt.u32 s8, $0xFFFFF086  }
0x1c: {  	p1 =	slt.u32 s9, $0xF7A;
	s5 =	simm.s32 @!p2 $0x0  }
0x1d: {  	s5 =	simm.s32 @p1 $0x1;
	p0 =	seq.s32 s7, s2  }
0x1e: {  	s7 =	smul.u32 @!p0 $0xF7A, s2;
	p2 =	seq.s32 @!p0 s5, $0x0  }
0x1f: {  	s9 =	smul.u32 $0xF7A, s1;
	s8 =	simm.s32 @!p0 $0x1BF5;
	p2 =	por !p2, p0  }
0x20: {  	[sflag:s8] =	ssyncset.s32 @!p0 $0xFFFFF086;
	s6 =	sadd.s32 @!p0 s3, s7;
	s7 =	simm.s32 @!p0 $0x108  }
0x21: {  	s3 =	sadd.s32 s3, s9;
	s6 =	sadd.s32 @!p0 $0x88, s6;
	s7 =	simm.s32 @p2 $0x1082  }
0x22: {  	[simem:s7], [sflag:s8] =	dma.local @!p0 [hbm:s6], $0xF7A  }
0x23: {  	s9 =	sor.u32 $0xD0000000, s2;
	s6 =	simm.s32 $0x108;
	_ =	swait.ge @!p0 [sflag:s8], $0x0  }
0x24: {  	s3 =	sadd.s32 $0x88, s3;
	s6 =	simm.s32 @!p1 $0x1082;
	[sflag:s4] =	ssyncset.s32 $0xFFFFF086  }
0x25: {  	[simem:s6], [sflag:s4] =	dma.local [hbm:s3], $0xF7A  }
0x26: {  	[smem:$0x3F99] =	sst s1;
	(tag) =	ssettag s2;
	_ =	strace s9  }
0x27: {  	s1 =	sld [smem:$0x3FA9]  }
0x28: {  	s2 =	sld [smem:$0x3FAA]  }
0x29: {  	s4 =	sld [smem:$0x3FAC]  }
0x2a: {  	p0 =	seq.s32 s5, $0x0;
	s5 =	sld [smem:$0x3FAD]  }
0x2b: {  	s6 =	sld [smem:$0x3FAE]  }
0x2c: {  	s7 =	sld [smem:$0x3FAF]  }
0x2d: {  	s3 =	simm.s32 $0x108;
	s8 =	sld [smem:$0x3FB0]  }
0x2e: {  	s3 =	simm.s32 @!p0 $0x1082;
	s9 =	sld [smem:$0x3FB1]  }
0x2f: {  	lr =	sadd.s32 s0, s3;
	s0 =	sld [smem:$0x3FA8]  }
0x30: {  	s3 =	sld [smem:$0x3FAB]  }
0x31: {  	[smem:$0x3FB4] =	sst s10  }
0x32: {  	s10 =	sld [smem:$0x3FB2];
	_ =	sdelay $0x3  }
0x33: {  	p0 =	seq.s32 s10, $0x1;
	s10 =	sld [smem:$0x3FB4];
	_ =	sdelay $0x3  }
0x34: {  	[smem:$0x3FB4] =	sst s10  }
0x35: {  	s10 =	sld [smem:$0x3FB3];
	_ =	sdelay $0x3  }
0x36: {  	p1 =	seq.s32 s10, $0x1;
	s10 =	sld [smem:$0x3FB4];
	_ =	sdelay $0x3  }
0x37: {  	[smem:$0x3FB4] =	sst s10  }
0x38: {  	s10 =	sld [smem:$0x3FB5]  }
0x39: {  	_ = 	snop;
	(pc) =	sbr.ind lr, $3  }
0x3a: {  	_ = 	snop  }
0x3b: {  	_ = 	snop  }
0x3c: {  	p2 =	seq.s32 s10, $0x1;
	s10 =	sld [smem:$0x3FB4]  }
0x3d: {  	_ =	shalt  }
0x3e: {  	_ =	shalt  }
0x3f: {  	_ =	shalt  }
0x40: {  	_ =	shalt  }
0x41: {  	_ =	shalt  }
0x42: {  	_ =	shalt  }
0x43: {  	_ =	shalt  }
0x44: {  	_ =	shalt  }
0x45: {  	_ =	shalt  }
0x46: {  	_ =	shalt  }
0x47: {  	_ =	shalt  }
0x48: {  	_ =	shalt  }
0x49: {  	_ =	shalt  }
0x4a: {  	_ =	shalt  }
0x4b: {  	_ =	shalt  }
0x4c: {  	_ =	shalt  }
0x4d: {  	_ =	shalt  }
0x4e: {  	_ =	shalt  }
0x4f: {  	_ =	shalt  }
0x50: {  	_ =	shalt  }
0x51: {  	_ =	shalt  }
0x52: {  	_ =	shalt  }
0x53: {  	_ =	shalt  }
0x54: {  	_ =	shalt  }
0x55: {  	_ =	shalt  }
0x56: {  	_ =	shalt  }
0x57: {  	_ =	shalt  }
0x58: {  	_ =	shalt  }
0x59: {  	_ =	shalt  }
0x5a: {  	_ =	shalt  }
0x5b: {  	_ =	shalt  }
0x5c: {  	_ =	shalt  }
0x5d: {  	_ =	shalt  }
0x5e: {  	_ =	shalt  }
0x5f: {  	_ =	shalt  }
0x60: {  	_ =	shalt  }
0x61: {  	_ =	shalt  }
0x62: {  	_ =	shalt  }
0x63: {  	_ =	shalt  }
0x64: {  	_ =	shalt  }
0x65: {  	_ =	shalt  }
0x66: {  	_ =	shalt  }
0x67: {  	_ =	shalt  }
0x68: {  	_ =	shalt  }
0x69: {  	_ =	shalt  }
0x6a: {  	_ =	shalt  }
0x6b: {  	_ =	shalt  }
0x6c: {  	_ =	shalt  }
0x6d: {  	_ =	shalt  }
0x6e: {  	_ =	shalt  }
0x6f: {  	_ =	shalt  }
0x70: {  	_ =	shalt  }
0x71: {  	_ =	shalt  }
0x72: {  	_ =	shalt  }
0x73: {  	_ =	shalt  }
0x74: {  	_ =	shalt  }
0x75: {  	_ =	shalt  }
0x76: {  	_ =	shalt  }
0x77: {  	_ =	shalt  }
0x78: {  	_ =	shalt  }
0x79: {  	_ =	shalt  }
0x7a: {  	_ =	shalt  }
0x7b: {  	_ =	shalt  }
0x7c: {  	_ =	shalt  }
0x7d: {  	_ =	shalt  }
0x7e: {  	_ =	shalt  }
0x7f: {  	_ =	shalt  }
0x80: {  	_ =	shalt  }
0x81: {  	_ =	shalt  }
0x82: {  	_ =	shalt  }
0x83: {  	_ =	shalt  }
0x84: {  	_ =	shalt  }
0x85: {  	_ =	shalt  }
0x86: {  	_ =	shalt  }
0x87: {  	_ =	shalt  }
.Lfunc_end0:
.L_simem_size_0:
called_computation_lowered:
.L_overlay_start_0:
0x88: {  	s2 =	sld [smem:$0x3FD9]  }
0x89: {  	s3 =	sld [smem:$0x3FFE];
	_ =	sdelay $0x1  }
0x8a: {  	s1 =	srdreg.scid  }
0x8b: {  	s0 =	sand.u32 $0x1, s1  }
0x8c: {  	s16 =	sshll.u32 s0, $0xA;
	s2 =	sadd.s32 s3, s2  }
0x8d: {  	s2 =	sadd.s32 s2, s16  }
0x8e: {  	[smem:$0x3FC0] =	sst s2  }
0x8f: {  	_ = 	snop  }
0x90: {  	(tm) =	ssettm $0x1  }
0x91: {  	s17 =	sld [smem:$0x3FFB];
	_ =	sdelay $0x3  }
0x92: {  	_ =	strace s17  }
0x93: {  	s2 =	sld [smem:$0x3FFC];
	_ =	sdelay $0x3  }
0x94: {  	_ =	strace s2  }
0x95: {  	s2 =	sld [smem:$0x3FFD];
	_ =	sdelay $0x3  }
0x96: {  	_ =	strace s2  }
0x97: {  	_ =	strace $0x8FFFFFFF  }
0x98: {  	s18 =	sld [smem:$0x3FDB];
	_ =	sdelay $0x1  }
0x99: {  	s19 =	simm.s32 $_scs_section_size  }
0x9a: {  	s4 =	simm.s32 $_size__tile_overlayer_lowered;
	s5 =	simm.s32 $_tile_overlayer_lowered  }
0x9b: {  	s22 =	simm.s32 $0x1BFF;
	s21 =	sshll.u32 s5, $0x1;
	s2 =	sadd.s32 s19, s18  }
0x9c: {  	s6 =	simm.s32 $0x0;
	s20 =	sshll.u32 s4, $0x1;
	s4 =	sadd.s32 s21, s2  }
0x9d: {  	[timem:s6], [sflag:s22] =	dma.local [hbm:s4], s20  }
0x9e: {  	_ =	swait.ge [sflag:s22], s20  }
0x9f: {  	s3 =	ssub.s32 $0x0, s20;
	[sflag:s22] =	ssyncset.done $0x0  }
0xa0: {  	[sflag:s22] =	ssyncadd.s32 s3;
	_ =	sdelay $0x1  }
0xa1: {  	s23 =	simm.s32 $0x1B8B  }
0xa2: {  	_ =	swait.ge [sflag:s23], $0x1  }
0xa3: {  	[sflag:s23] =	ssyncset.done $0x0  }
0xa4: {  	s25 =	simm.s32 $0x1B8E;
	s24 =	sld [smem:$0x3FFE];
	[sflag:s23] =	ssyncadd.s32 $0xFFFFFFFF  }
0xa5: {  	s26 =	simm.s32 $execute0_lowered;
	[smem:$0x3FD2] =	sst s25  }
0xa6: {  	s4 =	sshll.u32 s26, $0x1;
	_ =	strace $0x80000046;
	[dreg:$0x1] =	wrdreg $0xFFFFFFFF  }
0xa7: {  	s28 =	simm.s32 $_size_execute0_lowered;
	s2 =	sadd.s32 s2, s4;
	[dreg:$0x0] =	wrdreg $0x0  }
0xa8: {  	s4 =	sshll.u32 s28, $0x1;
	[dreg:$0x2] =	wrdreg s2  }
0xa9: {  	[dreg:$0x3] =	wrdreg s4  }
0xaa: {  	[dreg:$0x4] =	wrdreg $0xC0  }
0xab: {  	_ =	task [dreg:s6], $0x5FFFF  }
0xac: {  	[dreg:$0x1] =	wrdreg $0xFFFFFFFF  }
0xad: {  	[dreg:$0x0] =	wrdreg $0x60  }
0xae: {  	[dreg:$0x2] =	wrdreg s24  }
0xaf: {  	[dreg:$0x3] =	wrdreg $0x9  }
0xb0: {  	_ =	task.clear_ibuf [dreg:s6], $0x4FFFF;
	_ =	strace $0x90000046  }
0xb1: {  	s29 =	simm.s32 $0x9;
	_ =	strace $0x80000048  }
0xb2: {  	_ =	swait.ge [sflag:s29], $0x1  }
0xb3: {  	[sflag:s29] =	ssyncadd.s32 $0xFFFFFFFF  }
0xb4: {  	_ =	strace $0x90000048  }
0xb5: {  	_ =	sfence  }
0xb6: {  	s30 =	sld [smem:$0x0];
	_ =	sdelay $0x2  }
0xb7: {  	s31 =	sshll.u32 s1, $0xD;
	s1 =	sshrl.u32 s1, $0x2  }
0xb8: {  	s3 =	sand.u32 $0x4000, s31;
	s1 =	sadd.s32 s1, s30  }
0xb9: {  	s0 =	sor.u32 s3, s0;
	s1 =	sshll.u32 s1, $0x11  }
0xba: {  	s0 =	sor.u32 s1, s0  }
0xbb: {  	s0 =	sadd.s32 $0x8F2B, s0  }
0xbc: {  	[sflag:s0] =	ssyncadd.remote.s32 $0x1  }
0xbd: {  	_ =	sfence.sel $0xFFFF  }
0xbe: {  	[dreg:$0x0] =	wrdreg $0xFFFFFFFF;
	(pc) =	sbr.abs _section_cstart, $3  }
0xbf: {  	[dreg:$0x1] =	wrdreg $0xFFFFFFFF  }
0xc0: {  	_ =	task.clear_ibuf [dreg:s6], $0x2FFFF;
	_ =	strace $0x9FFFFFFF  }
0xc1: {  	(tm) =	ssettm $0x7FFFFFFF  }
tec
execute0_lowered:
.L_overlay_start_1:
0x0: {  	(tag) =	ssettag $0x1  }
0x1: {  	s0 =	srdreg.scid;
	s5 =	rddreg [dreg:$0x0]  }
0x2: {  	s1 =	stileid.u32;
	s6 =	simm.s32 $0x1;
	s9 =	simm.s32 $0x1  }
0x3: {  	s10 =	simm.s32 $0x3;
	s13 =	simm.s32 $0x0;
	s2 =	sshll.u32 s0, $0x6  }
0x4: {  	s12 =	simm.s32 $0x0;
	s3 =	sshll.u32 s1, $0x7;
	s2 =	sand.u32 $0x40, s2  }
0x5: {  	s0 =	rddreg [dreg:$0x1];
	_ =	strace $0x80000047;
	s2 =	sor.u32 s3, s2  }
0x6: {  	s4 =	sadd.s32 $0x3000, s5;
	[sflag:s6] =	ssyncpa.u1 $0x0;
	s8 =	ssub.s32 $0x1000, s2  }
.Ltmp0:
0x7: {  	s3 =	sadd.s32 $0x2000, s5;
	s7 =	sand.u32 $0x7C0, s8;
	(pc) =	sbr.rel .LBB2_1-.Ltmp0, $4  }
0x8: {  	s5 =	sadd.s32 $0xE00, s5;
	s11 =	smov.u32 s2;
	p0 =	sne.s32 s7, $0x0  }
0x9: {  	s8 =	sshrl.u32 s8, $0xB;
	s7 =	simm.s32 $0x2;
	s9 =	simm.s32 @!p0 $0x0  }
0xa: {  	[sflag:s7] =	ssyncpa.u1 $0x0;
	p0 =	por $0x0, $0x0;
	s8 =	sadd.s32 s9, s8  }
0xb: {  	vm0 =	vmmov $0xffff;
	[sflag:s10] =	ssyncpa.u1 $0x0;
	s10 =	simm.s32 $0x0;
	s9 =	sadd.s32 $0x1, s8  }
.LBB2_4:
0xc: {  	v2 =	vnsel vm1, $0x0, v2  }
0xd: {  	vm1 =	vgt.s32 v0, $0x0;
	v2 =	vmin.u32 v2, $0x7FFF  }
0xe: {  	v0 =	vnsel vm1, $0x0, v0  }
0xf: {  	v0 =	vmin.u32 v0, $0x7FFF  }
0x10: {  	[tilespmem:s15], [sflag:$0x1] =	stream.indirect_vreg.gather [hbm4b:s3+s10], $0x1, v1, vm0, $0x4038;
	[tilespmem:$0x100] =	vst v63  }
0x11: {  	(ifvalue) =	ssetifvalue $0x7FFFFFFF  }
0x12: {  	[tilespmem:s16], [sflag:$0x1] =	stream.indirect_vreg.gather [hbm4b:s3+s10], $0x1, v2, vm0, $0x4038;
	[tilespmem:$0x100] =	vst v63  }
0x13: {  	s29 =	sadd.s32 $0x10, s16;
	(ifvalue) =	ssetifvalue $0x7FFFFFFF  }
0x14: {  	[tilespmem:s29], [sflag:$0x1] =	stream.indirect_vreg.gather [hbm4b:s3+s10], $0x1, v0, vm0, $0x4038;
	[tilespmem:$0x100] =	vst v63  }
0x15: {  	_ =	swait.ge [sflag:s6], $0x40  }
0x16: {  	s30 =	sshrl.u32 s13, $0x3;
	[sflag:s6] =	ssyncset.done $0x0  }
0x17: {  	s31 =	sand.u32 $0x7, s13;
	s15 =	sadd.s32 s5, s30;
	[sflag:s6] =	ssyncadd.s32 $0xFFFFFFC0  }
0x18: {  	[hbm4b:s15+s31] =	stream.linear.scatter [tilespmem:s14], [sflag:$0x3], $0x40, $0x38;
	[tilespmem:$0x100] =	vst v63  }
.LBB2_5:
0x19: {  	s15 =	sadd.s32 $0x800, s11  }
0x1a: {  	p2 =	sgt.s32 s15, $0xFFF  }
0x1b: {  	s15 =	smov.u32 @p2 s2;
	p2 =	sne.s32 s12, s9  }
.Ltmp1:
0x1c: {  	p1 =	slt.u32 s12, $0x2;
	(pc) =	sbr.rel @!p2 .LBB2_6-.Ltmp1, $4  }
0x1d: {  	s14 =	simm.s32 @!p1 $0x3  }
0x1e: {  	s16 =	sadd.s32 $0x1, s12;
	_ =	swait.ge @!p1 [sflag:s14], $0x40  }
0x1f: {  	s13 =	smov.u32 s11;
	p0 =	por !p0, !p0;
	[sflag:s14] =	ssyncset.done @!p1 $0x0  }
0x20: {  	s12 =	smov.u32 s16;
	s11 =	smov.u32 s15;
	[sflag:s14] =	ssyncadd.s32 @!p1 $0xFFFFFFC0  }
.LBB2_1:
0x21: {  	p1 =	sge.u32 s12, s8  }
0x22: {  	s14 =	sxor.u32 @!p1 $0xFFFFFFFF, s12  }
0x23: {  	s31 =	sadd.s32 $0xFFFFFFFF, s12;
	s15 =	sshrl.u32 @!p1 s11, $0x3;
	s14 =	sshll.u32 @!p1 s14, $0x6  }
0x24: {  	s16 =	sand.u32 @!p1 $0x7, s11;
	s15 =	sadd.s32 @!p1 s4, s15;
	s14 =	sand.u32 @!p1 $0x40, s14  }
0x25: {  	[tilespmem:s14], [sflag:$0x2] =	stream.linear.gather @!p1 [hbm4b:s15+s16], $0x40, $0x38;
	[tilespmem:$0x100] =	vst v63  }
0x26: {  	p1 =	sge.u32 s31, s8  }
.Ltmp2:
0x27: {  	_ = 	snop;
	(pc) =	sbr.rel @p1 .LBB2_5-.Ltmp2, $1  }
0x28: {  	_ =	sdelay $0x3  }
0x29: {  	s14 =	simm.s32 $0x1  }
0x2a: {  	_ =	swait.ge [sflag:s7], $0x40;
	s14 =	simm.s32 @!p0 $0x0  }
0x2b: {  	[sflag:s7] =	ssyncset.done $0x0;
	s14 =	sshll.u32 s14, $0x6  }
0x2c: {  	[sflag:s7] =	ssyncadd.s32 $0xFFFFFFC0;
	(ifvalue) =	ssetifvalue $0x7FFFFFFF;
	v0 =	vld.msk [tilespmem:s14+$0x0 ss:$0x1], $0xffff;
	_ =	sdelay $0x4  }
0x2d: {  	s15 =	sadd.s32 $0x10, s14;
	vm1 =	vgt.s32 v0, $0x0  }
0x2e: {  	v2 =	vld.msk [tilespmem:s15+$0x0 ss:$0x1], $0xffff;
	v1 =	vnsel vm1, $0x0, v0  }
0x2f: {  	v1 =	vmin.u32 v1, $0x7FFF;
	_ =	sdelay $0x1  }
0x30: {  	s16 =	sshll.u32 s12, $0x6;
	s18 =	simm.s32 $0x20  }
0x31: {  	s16 =	sand.u32 $0x40, s16;
	s17 =	sadd.s32 $0x10, s15;
	s15 =	sor.u32 $0x80, s14  }
0x32: {  	s14 =	sor.u32 $0x80, s16;
	s16 =	sadd.s32 $0x10, s15;
	v0 =	vld.msk [tilespmem:s17+$0x0 ss:$0x1], $0xffff;
	vm1 =	vgt.s32 v2, $0x0;
	(ifvalue) =	ssetifvalue $0x7FFFFFFF  }
.LBB2_3:
0x33: {  	[tilespmem:s15], [sflag:$0x1] =	stream.indirect_vreg.gather [hbm4b:s3+s10], $0x1, v1, vm0, $0x4038;
	[tilespmem:$0x100] =	vst v63  }
0x34: {  	s18 =	sadd.s32 $0x10, s18  }
0x35: {  	v2 =	vnsel vm1, $0x0, v2;
	p1 =	slt.u32 s18, $0x30  }
.Ltmp3:
0x36: {  	s15 =	smov.u32 s16;
	v1 =	vmin.u32 v2, $0x7FFF;
	(pc) =	sbr.rel @p1 .LBB2_3-.Ltmp3, $3  }
0x37: {  	_ =	sdelay $0x1  }
0x38: {  	s17 =	sadd.s32 $0x10, s17  }
0x39: {  	vm1 =	vgt.s32 v0, $0x0;
	s16 =	sadd.s32 $0x10, s16;
	v2 =	vmov v0;
	(ifvalue) =	ssetifvalue $0x7FFFFFFF;
	v0 =	vld.msk [tilespmem:s17+$0x0 ss:$0x1], $0xffff  }
.Ltmp4:
0x3a: {  	_ = 	snop;
	(pc) =	sbr.rel .LBB2_4-.Ltmp4, $1  }
0x3b: {  	_ =	sdelay $0x3  }
.LBB2_6:
0x3c: {  	_ =	sfence.sel $0x180000  }
0x3d: {  	s2 =	simm.s32 $0x2;
	[bflag:$0x0] =	sbarrier.arrive $0xFFFF  }
0x3e: {  	s30 =	simm.s32 $0x3;
	[sflag:s2] =	ssyncpa.u1 $0x1  }
0x3f: {  	s31 =	simm.s32 $0x1;
	[sflag:s30] =	ssyncpa.u1 $0x1  }
0x40: {  	[sflag:s31] =	ssyncpa.u1 $0x1  }
0x41: {  	p0 =	sne.s32 s1, $0x0;
	_ =	strace $0x90000047  }
0x42: {  	s0 =	sadd.s32 @!p0 $0x100000, s0;
	[bflag:$0x2] =	sbarrier.arrive $0xFFFF  }
0x43: {  	[sflag:s0] =	ssyncadd.tile.s32 @!p0 $0x1;
	_ =	shalt  }
.Lfunc_end2:
_tile_overlayer_lowered:
.L_overlay_start_2:
0x44: {  	(tag) =	ssettag $0x2  }
0x45: {  	s0 =	rddreg [dreg:$0x0];
	s2 =	stileid.u32  }
0x46: {  	s1 =	rddreg [dreg:$0x1];
	p0 =	sne.s32 s2, $0x0  }
0x47: {  	s3 =	rddreg [dreg:$0x2];
	[bflag:$0x3] =	sbarrier.arrive $0xFFFF;
	s2 =	simm.s32 @!p0 $0x1C01  }
0x48: {  	[timem:s3], [sflag:s2] =	dma.local @!p0 [hbm:s0], s1  }
0x49: {  	s0 =	simm.s32 @!p0 $0x1  }
0x4a: {  	_ =	swait.ge @!p0 [sflag:s0], s1  }
0x4b: {  	s1 =	ssub.s32 @!p0 $0x0, s1;
	[sflag:s0] =	ssyncset.done @!p0 $0x0  }
0x4c: {  	[sflag:s0] =	ssyncadd.s32 @!p0 s1  }
0x4d: {  	[bflag:$0x3] =	sbarrier.arrive $0xFFFF  }
0x4e: {  	_ =	shalt  }

</sc_bundles>
